<compile_context>
chip_gen: v7x
topology: tpu7x:2x2x1
jax: 0.10.2.dev20260603
libtpu: 0.0.44.dev20260713+nightly
codegen_flags: <defaults>
</compile_context>

<pallas_src>
import functools

import jax
import jax.numpy as jnp
from jax import lax
from jax.experimental import pallas as pl
from jax.experimental.pallas import tpu as pltpu
from jax.experimental.pallas import tpu_sc as plsc

K = 8192
D = 256
BT = 1024


_CHUNK = 2816


def _argmin_body(x_ref, cb_ref, e2_ref, idx_ref, commit_ref, cbb_ref):
    t = pl.program_id(0)

    @pl.when(t == 0)
    def _():
        cbb_ref[...] = cb_ref[...].astype(jnp.bfloat16)

    xv = x_ref[...]
    x2v = jnp.sum(xv * xv, axis=1, keepdims=True)
    xm2 = (-2.0 * xv).astype(jnp.bfloat16)
    dots2 = lax.dot_general(xm2, cbb_ref[...],
                            (((1,), (1,)), ((), ())),
                            preferred_element_type=jnp.float32)
    kk = dots2.shape[1]
    e2v = e2_ref[...]
    nl = 128
    bounds = [(lo, min(lo + _CHUNK, kk)) for lo in range(0, kk, _CHUNK)]
    rv_cmp = None
    ri = None
    rexact = None
    for lo, hi in bounds:
        rv = rj = None
        for j in range((hi - lo) // nl):
            s = lo + j * nl
            ddj = x2v + dots2[:, s:s + nl] + e2v[:, s:s + nl]
            if rv is None:
                rv, rj = ddj, jnp.zeros_like(ddj)
            else:
                m = ddj < rv
                rv = jnp.where(m, ddj, rv)
                rj = jnp.where(m, jnp.float32(j), rj)
        lmin = jnp.min(rv, axis=1, keepdims=True)
        lane = lax.broadcasted_iota(jnp.int32, rv.shape, 1).astype(jnp.float32)
        gidx = rj * float(nl) + lane + float(lo)
        lidx = jnp.min(jnp.where(rv == lmin, gidx, float(kk)),
                       axis=1, keepdims=True)
        if rv_cmp is None:
            rv_cmp, ri, rexact = lmin.astype(jnp.bfloat16), lidx, lmin
        else:
            rvf = rv_cmp.astype(jnp.float32)
            take = lmin < rvf
            ri = jnp.where(take, lidx, ri)
            rexact = jnp.where(take, lmin, rexact)
            rv_cmp = jnp.where(take, lmin, rvf).astype(jnp.bfloat16)
    idx_ref[...] = ri.astype(jnp.int32)
    s = jnp.sum(rexact)

    @pl.when(t == 0)
    def _():
        commit_ref[0, 0] = s

    @pl.when(t > 0)
    def _():
        commit_ref[0, 0] = commit_ref[0, 0] + s


def _argmin_call(x, cb, e2, bt=BT, interpret=False):
    ntok, d = x.shape
    kk = cb.shape[0]
    nt = ntok // bt
    return pl.pallas_call(
        _argmin_body,
        grid=(nt,),
        in_specs=[
            pl.BlockSpec((bt, d), lambda t: (t, 0)),
            pl.BlockSpec((kk, d), lambda t: (0, 0)),
            pl.BlockSpec((1, kk), lambda t: (0, 0)),
        ],
        out_specs=[
            pl.BlockSpec((bt, 1), lambda t: (t, 0)),
            pl.BlockSpec((1, 1), lambda t: (0, 0),
                         memory_space=pltpu.SMEM),
        ],
        out_shape=[
            jax.ShapeDtypeStruct((ntok, 1), jnp.int32),
            jax.ShapeDtypeStruct((1, 1), jnp.float32),
        ],
        scratch_shapes=[
            pltpu.VMEM((kk, d), jnp.bfloat16),
        ],
        interpret=interpret,
    )(x, cb, e2)


@functools.cache
def _make_gather(batch):
    info = plsc.get_sparse_core_info()
    nw = info.num_cores * info.num_subcores
    bpw = batch // nw
    ch = min(bpw, 128)
    nch = bpw // ch
    mesh = plsc.VectorSubcoreMesh(core_axis_name="c", subcore_axis_name="s")

    @functools.partial(
        pl.kernel, mesh=mesh,
        out_type=jax.ShapeDtypeStruct((batch, D), jnp.float32),
        scratch_types=[
            pltpu.VMEM((nch, ch), jnp.int32),
            pltpu.VMEM((ch, D), jnp.float32),
            pltpu.VMEM((ch, D), jnp.float32),
            pltpu.SemaphoreType.DMA,
            pltpu.SemaphoreType.DMA,
        ],
    )
    def gather_kernel(table_hbm, idx_hbm, out_hbm, idx_v, rows0, rows1,
                      gsem, ssem):
        wid = lax.axis_index("s") * info.num_cores + lax.axis_index("c")
        base = wid * bpw
        bufs = [rows0, rows1]
        pltpu.sync_copy(idx_hbm.at[pl.ds(base, ch)], idx_v.at[0])
        g = pltpu.async_copy(table_hbm.at[idx_v.at[0]], bufs[0], gsem)
        scat = []
        for ci in range(nch):
            g.wait()
            scat.append(pltpu.async_copy(
                bufs[ci % 2], out_hbm.at[pl.ds(base + ci * ch, ch)], ssem))
            nxt = ci + 1
            if nxt < nch:
                pltpu.sync_copy(idx_hbm.at[pl.ds(base + nxt * ch, ch)],
                                idx_v.at[nxt])
                if nxt >= 2:
                    scat[nxt - 2].wait()
                g = pltpu.async_copy(table_hbm.at[idx_v.at[nxt]],
                                     bufs[nxt % 2], gsem)
        for s in scat[max(0, nch - 2):]:
            s.wait()

    return gather_kernel


def kernel(inputs, codebook):
    b, c, h, w = inputs.shape
    n = h * w
    batch = b * n
    x = jnp.transpose(inputs, (0, 2, 3, 1)).reshape(batch, c)
    e2 = jnp.sum(codebook * codebook, axis=-1).reshape(1, codebook.shape[0])
    idx2d, csum = _argmin_call(x, codebook, e2)
    q = _make_gather(batch)(codebook, idx2d.reshape(batch))
    quantized = jnp.transpose(q.reshape(b, h, w, c), (0, 3, 1, 2))
    commit = csum[0, 0] / (batch * c)
    return quantized, commit

# --- scband reference (transcript-rebuilt; emitter-appended) ---
"""Pipeline reference for scband-quantizer-14920716386844 (READ-ONLY COPY).

The authoritative reference and input builder live on the scoring server;
editing this copy changes nothing except your own understanding.
"""

import jax, jax.numpy as jnp
import numpy as np

CODEBOOK_SIZE = 8192
EMBED_DIM = 256
COMMITMENT_WEIGHT = 1.0


def setup_inputs(seed: int = 0) -> dict:
    key = jax.random.key(seed)
    k1, k2 = jax.random.split(key)
    inputs = jax.random.normal(k1, (16, EMBED_DIM, 32, 32), dtype=jnp.float32)
    # EMA codebook buffer (not gradient-trained), materialized as a plain array
    codebook = jax.random.normal(k2, (CODEBOOK_SIZE, EMBED_DIM), dtype=jnp.float32)
    return {"inputs": inputs, "codebook": codebook}


def reference(inputs, codebook):
    # Faithful jax translation of lucidrains VectorQuantize with
    # accept_image_fmap=True, euclidean EMA codebook, commitment loss,
    # straight-through estimator. Wrapper returns (quantized, mean(commit_loss)).
    b, c, h, w = inputs.shape
    # rearrange 'b c h w -> b (h w) c'
    x = jnp.transpose(inputs, (0, 2, 3, 1)).reshape(b, h * w, c)
    # squared euclidean distance to every code: ||x||^2 - 2 x.e + ||e||^2
    x2 = jnp.sum(x * x, axis=-1, keepdims=True)            # [b, n, 1]
    e2 = jnp.sum(codebook * codebook, axis=-1)              # [K]
    dots = jnp.einsum('bnd,kd->bnk', x, codebook)           # [b, n, K]
    dist = x2 - 2.0 * dots + e2[None, None, :]
    embed_ind = jnp.argmin(dist, axis=-1)                   # [b, n]
    quantize = jnp.take(codebook, embed_ind, axis=0)        # [b, n, c]
    # commitment loss: mse(detach(quantize), x) * commitment_weight
    commit_loss = jnp.mean((jax.lax.stop_gradient(quantize) - x) ** 2) * COMMITMENT_WEIGHT
    # straight-through
    quantize = x + jax.lax.stop_gradient(quantize - x)
    # rearrange back 'b (h w) c -> b c h w'
    quantized = jnp.transpose(quantize.reshape(b, h, w, c), (0, 3, 1, 2))
    return quantized, jnp.mean(commit_loss)

if __name__ == "__main__":
    import jax
    _d = setup_inputs()
    print(jax.jit(kernel)(*tuple(_d.values())))

</pallas_src>

<mosaic_0001>
#map = affine_map<(d0, d1) -> (0, 0)>
#map1 = affine_map<(d0, d1) -> (0)>
module attributes {stable_mosaic.version = 14 : i64} {
  func.func @gather_kernel(%arg0: i32, %arg1: i32, %arg2: memref<8192x256xf32, #tpu.memory_space<hbm>>, %arg3: memref<16384xi32, #tpu.memory_space<hbm>>, %arg4: memref<16384x256xf32, #tpu.memory_space<hbm>>, %arg5: memref<4x128xi32, #tpu.memory_space<vmem>>, %arg6: memref<128x256xf32, #tpu.memory_space<vmem>>, %arg7: memref<128x256xf32, #tpu.memory_space<vmem>>, %arg8: memref<!tpu.dma_semaphore, #tpu.memory_space<semaphore_mem>>, %arg9: memref<!tpu.dma_semaphore, #tpu.memory_space<semaphore_mem>>) attributes {dimension_semantics = [#tpu.dimension_semantics<core_parallel>, #tpu.dimension_semantics<subcore_parallel>], iteration_bounds = array<i64: 2, 16>, scalar_prefetch = 0 : i64, scratch_operands = 5 : i64, tpu.core_type = #tpu.core_type<sc_vector_subcore>, window_params = [{transform_indices = #map}, {transform_indices = #map1}, {transform_indices = #map}]} {
    %mul3A = arith.constant 2 : i32
    %mul3A_0 = arith.muli %arg1, %mul3A : i32
    %add3A = arith.addi %mul3A_0, %arg0 : i32
    %mul3A_1 = arith.constant 512 : i32
    %mul3A_2 = arith.muli %add3A, %mul3A_1 : i32
    %run_scoped3A = arith.constant 0 : i32
    "tpu.region"() ({
      %run_scoped3A_106 = tpu.sem_alloc : memref<!tpu.dma_semaphore, #tpu.memory_space<semaphore_mem>>
      %dma_start3A_107 = arith.constant 0 : i32
      %dma_start3A_108 = tpu.memref_slice %arg5[%run_scoped3A, %dma_start3A_107] : memref<4x128xi32, #tpu.memory_space<vmem>> -> memref<1x128xi32, #tpu.memory_space<vmem>>
      %dma_start3A_109 = tpu.memref_squeeze %dma_start3A_108 : memref<1x128xi32, #tpu.memory_space<vmem>> -> memref<128xi32, #tpu.memory_space<vmem>>
      %dma_start3A_110 = tpu.memref_slice %arg3[%mul3A_2] : memref<16384xi32, #tpu.memory_space<hbm>> -> memref<128xi32, #tpu.memory_space<hbm>>
      %dma_start3A_111 = arith.constant 0 : i32
      %dma_start3A_112 = tpu.memref_slice %arg5[%run_scoped3A, %dma_start3A_111] : memref<4x128xi32, #tpu.memory_space<vmem>> -> memref<1x128xi32, #tpu.memory_space<vmem>>
      %dma_start3A_113 = tpu.memref_squeeze %dma_start3A_112 : memref<1x128xi32, #tpu.memory_space<vmem>> -> memref<128xi32, #tpu.memory_space<vmem>>
      %dma_start3A_114 = tpu.memref_slice %arg3[%mul3A_2] : memref<16384xi32, #tpu.memory_space<hbm>> -> memref<128xi32, #tpu.memory_space<hbm>>
      tpu.enqueue_dma source(%dma_start3A_114 : memref<128xi32, #tpu.memory_space<hbm>>) target(%dma_start3A_113 : memref<128xi32, #tpu.memory_space<vmem>>) target_semaphore(%run_scoped3A_106 : memref<!tpu.dma_semaphore, #tpu.memory_space<semaphore_mem>>)
      %dma_wait3A_115 = arith.constant 0 : i32
      %dma_wait3A_116 = tpu.memref_slice %arg5[%run_scoped3A, %dma_wait3A_115] : memref<4x128xi32, #tpu.memory_space<vmem>> -> memref<1x128xi32, #tpu.memory_space<vmem>>
      %dma_wait3A_117 = tpu.memref_squeeze %dma_wait3A_116 : memref<1x128xi32, #tpu.memory_space<vmem>> -> memref<128xi32, #tpu.memory_space<vmem>>
      %dma_wait3A_118 = tpu.memref_slice %arg3[%mul3A_2] : memref<16384xi32, #tpu.memory_space<hbm>> -> memref<128xi32, #tpu.memory_space<hbm>>
      %dma_wait3A_119 = arith.constant 0 : i32
      %dma_wait3A_120 = tpu.memref_slice %arg5[%run_scoped3A, %dma_wait3A_119] : memref<4x128xi32, #tpu.memory_space<vmem>> -> memref<1x128xi32, #tpu.memory_space<vmem>>
      %dma_wait3A_121 = tpu.memref_squeeze %dma_wait3A_120 : memref<1x128xi32, #tpu.memory_space<vmem>> -> memref<128xi32, #tpu.memory_space<vmem>>
      %dma_wait3A_122 = tpu.memref_slice %arg3[%mul3A_2] : memref<16384xi32, #tpu.memory_space<hbm>> -> memref<128xi32, #tpu.memory_space<hbm>>
      tpu.wait_dma2 semaphore(%run_scoped3A_106 : memref<!tpu.dma_semaphore, #tpu.memory_space<semaphore_mem>>) src(%dma_wait3A_122 : memref<128xi32, #tpu.memory_space<hbm>>) dst(%dma_wait3A_121 : memref<128xi32, #tpu.memory_space<vmem>>)
      tpu.yield
    }) : () -> ()
    %dma_start3A = arith.constant 0 : i32
    %dma_start3A_3 = arith.constant 0 : i32
    %dma_start3A_4 = tpu.memref_slice %arg5[%dma_start3A, %dma_start3A_3] : memref<4x128xi32, #tpu.memory_space<vmem>> -> memref<1x128xi32, #tpu.memory_space<vmem>>
    %dma_start3A_5 = tpu.memref_squeeze %dma_start3A_4 : memref<1x128xi32, #tpu.memory_space<vmem>> -> memref<128xi32, #tpu.memory_space<vmem>>
    %dma_start3A_6 = arith.constant 0 : i32
    %dma_start3A_7 = arith.constant 0 : i32
    %dma_start3A_8 = tpu.memref_slice %arg2[%dma_start3A_6, %dma_start3A_7] : memref<8192x256xf32, #tpu.memory_space<hbm>> -> memref<8192x256xf32, #tpu.memory_space<hbm>>
    tpu.enqueue_indirect_dma source(%dma_start3A_8 : memref<8192x256xf32, #tpu.memory_space<hbm>>) target(%arg6 : memref<128x256xf32, #tpu.memory_space<vmem>>) offsets(%dma_start3A_5 : memref<128xi32, #tpu.memory_space<vmem>>) semaphore(%arg8 : memref<!tpu.dma_semaphore, #tpu.memory_space<semaphore_mem>>)
    %dma_wait3A = arith.constant 0 : i32
    %dma_wait3A_9 = arith.constant 0 : i32
    %dma_wait3A_10 = tpu.memref_slice %arg5[%dma_wait3A, %dma_wait3A_9] : memref<4x128xi32, #tpu.memory_space<vmem>> -> memref<1x128xi32, #tpu.memory_space<vmem>>
    %dma_wait3A_11 = tpu.memref_squeeze %dma_wait3A_10 : memref<1x128xi32, #tpu.memory_space<vmem>> -> memref<128xi32, #tpu.memory_space<vmem>>
    %dma_wait3A_12 = arith.constant 0 : i32
    %dma_wait3A_13 = arith.constant 0 : i32
    %dma_wait3A_14 = tpu.memref_slice %arg2[%dma_wait3A_12, %dma_wait3A_13] : memref<8192x256xf32, #tpu.memory_space<hbm>> -> memref<8192x256xf32, #tpu.memory_space<hbm>>
    tpu.wait_indirect_dma semaphore(%arg8 : memref<!tpu.dma_semaphore, #tpu.memory_space<semaphore_mem>>) src(%dma_wait3A_14 : memref<8192x256xf32, #tpu.memory_space<hbm>>) dst(%arg6 : memref<128x256xf32, #tpu.memory_space<vmem>>)
    %add3A_15 = arith.constant 0 : i32
    %add3A_16 = arith.addi %mul3A_2, %add3A_15 : i32
    %dma_start3A_17 = arith.constant 0 : i32
    %dma_start3A_18 = tpu.memref_slice %arg4[%add3A_16, %dma_start3A_17] : memref<16384x256xf32, #tpu.memory_space<hbm>> -> memref<128x256xf32, #tpu.memory_space<hbm>>
    %dma_start3A_19 = arith.constant 0 : i32
    %dma_start3A_20 = tpu.memref_slice %arg4[%add3A_16, %dma_start3A_19] : memref<16384x256xf32, #tpu.memory_space<hbm>> -> memref<128x256xf32, #tpu.memory_space<hbm>>
    tpu.enqueue_dma source(%arg6 : memref<128x256xf32, #tpu.memory_space<vmem>>) target(%dma_start3A_20 : memref<128x256xf32, #tpu.memory_space<hbm>>) target_semaphore(%arg9 : memref<!tpu.dma_semaphore, #tpu.memory_space<semaphore_mem>>)
    %add3A_21 = arith.constant 128 : i32
    %add3A_22 = arith.addi %mul3A_2, %add3A_21 : i32
    %run_scoped3A_23 = arith.constant 1 : i32
    "tpu.region"() ({
      %run_scoped3A_106 = tpu.sem_alloc : memref<!tpu.dma_semaphore, #tpu.memory_space<semaphore_mem>>
      %dma_start3A_107 = arith.constant 0 : i32
      %dma_start3A_108 = tpu.memref_slice %arg5[%run_scoped3A_23, %dma_start3A_107] : memref<4x128xi32, #tpu.memory_space<vmem>> -> memref<1x128xi32, #tpu.memory_space<vmem>>
      %dma_start3A_109 = tpu.memref_squeeze %dma_start3A_108 : memref<1x128xi32, #tpu.memory_space<vmem>> -> memref<128xi32, #tpu.memory_space<vmem>>
      %dma_start3A_110 = tpu.memref_slice %arg3[%add3A_22] : memref<16384xi32, #tpu.memory_space<hbm>> -> memref<128xi32, #tpu.memory_space<hbm>>
      %dma_start3A_111 = arith.constant 0 : i32
      %dma_start3A_112 = tpu.memref_slice %arg5[%run_scoped3A_23, %dma_start3A_111] : memref<4x128xi32, #tpu.memory_space<vmem>> -> memref<1x128xi32, #tpu.memory_space<vmem>>
      %dma_start3A_113 = tpu.memref_squeeze %dma_start3A_112 : memref<1x128xi32, #tpu.memory_space<vmem>> -> memref<128xi32, #tpu.memory_space<vmem>>
      %dma_start3A_114 = tpu.memref_slice %arg3[%add3A_22] : memref<16384xi32, #tpu.memory_space<hbm>> -> memref<128xi32, #tpu.memory_space<hbm>>
      tpu.enqueue_dma source(%dma_start3A_114 : memref<128xi32, #tpu.memory_space<hbm>>) target(%dma_start3A_113 : memref<128xi32, #tpu.memory_space<vmem>>) target_semaphore(%run_scoped3A_106 : memref<!tpu.dma_semaphore, #tpu.memory_space<semaphore_mem>>)
      %dma_wait3A_115 = arith.constant 0 : i32
      %dma_wait3A_116 = tpu.memref_slice %arg5[%run_scoped3A_23, %dma_wait3A_115] : memref<4x128xi32, #tpu.memory_space<vmem>> -> memref<1x128xi32, #tpu.memory_space<vmem>>
      %dma_wait3A_117 = tpu.memref_squeeze %dma_wait3A_116 : memref<1x128xi32, #tpu.memory_space<vmem>> -> memref<128xi32, #tpu.memory_space<vmem>>
      %dma_wait3A_118 = tpu.memref_slice %arg3[%add3A_22] : memref<16384xi32, #tpu.memory_space<hbm>> -> memref<128xi32, #tpu.memory_space<hbm>>
      %dma_wait3A_119 = arith.constant 0 : i32
      %dma_wait3A_120 = tpu.memref_slice %arg5[%run_scoped3A_23, %dma_wait3A_119] : memref<4x128xi32, #tpu.memory_space<vmem>> -> memref<1x128xi32, #tpu.memory_space<vmem>>
      %dma_wait3A_121 = tpu.memref_squeeze %dma_wait3A_120 : memref<1x128xi32, #tpu.memory_space<vmem>> -> memref<128xi32, #tpu.memory_space<vmem>>
      %dma_wait3A_122 = tpu.memref_slice %arg3[%add3A_22] : memref<16384xi32, #tpu.memory_space<hbm>> -> memref<128xi32, #tpu.memory_space<hbm>>
      tpu.wait_dma2 semaphore(%run_scoped3A_106 : memref<!tpu.dma_semaphore, #tpu.memory_space<semaphore_mem>>) src(%dma_wait3A_122 : memref<128xi32, #tpu.memory_space<hbm>>) dst(%dma_wait3A_121 : memref<128xi32, #tpu.memory_space<vmem>>)
      tpu.yield
    }) : () -> ()
    %dma_start3A_24 = arith.constant 1 : i32
    %dma_start3A_25 = arith.constant 0 : i32
    %dma_start3A_26 = tpu.memref_slice %arg5[%dma_start3A_24, %dma_start3A_25] : memref<4x128xi32, #tpu.memory_space<vmem>> -> memref<1x128xi32, #tpu.memory_space<vmem>>
    %dma_start3A_27 = tpu.memref_squeeze %dma_start3A_26 : memref<1x128xi32, #tpu.memory_space<vmem>> -> memref<128xi32, #tpu.memory_space<vmem>>
    %dma_start3A_28 = arith.constant 0 : i32
    %dma_start3A_29 = arith.constant 0 : i32
    %dma_start3A_30 = tpu.memref_slice %arg2[%dma_start3A_28, %dma_start3A_29] : memref<8192x256xf32, #tpu.memory_space<hbm>> -> memref<8192x256xf32, #tpu.memory_space<hbm>>
    tpu.enqueue_indirect_dma source(%dma_start3A_30 : memref<8192x256xf32, #tpu.memory_space<hbm>>) target(%arg7 : memref<128x256xf32, #tpu.memory_space<vmem>>) offsets(%dma_start3A_27 : memref<128xi32, #tpu.memory_space<vmem>>) semaphore(%arg8 : memref<!tpu.dma_semaphore, #tpu.memory_space<semaphore_mem>>)
    %dma_wait3A_31 = arith.constant 1 : i32
    %dma_wait3A_32 = arith.constant 0 : i32
    %dma_wait3A_33 = tpu.memref_slice %arg5[%dma_wait3A_31, %dma_wait3A_32] : memref<4x128xi32, #tpu.memory_space<vmem>> -> memref<1x128xi32, #tpu.memory_space<vmem>>
    %dma_wait3A_34 = tpu.memref_squeeze %dma_wait3A_33 : memref<1x128xi32, #tpu.memory_space<vmem>> -> memref<128xi32, #tpu.memory_space<vmem>>
    %dma_wait3A_35 = arith.constant 0 : i32
    %dma_wait3A_36 = arith.constant 0 : i32
    %dma_wait3A_37 = tpu.memref_slice %arg2[%dma_wait3A_35, %dma_wait3A_36] : memref<8192x256xf32, #tpu.memory_space<hbm>> -> memref<8192x256xf32, #tpu.memory_space<hbm>>
    tpu.wait_indirect_dma semaphore(%arg8 : memref<!tpu.dma_semaphore, #tpu.memory_space<semaphore_mem>>) src(%dma_wait3A_37 : memref<8192x256xf32, #tpu.memory_space<hbm>>) dst(%arg7 : memref<128x256xf32, #tpu.memory_space<vmem>>)
    %add3A_38 = arith.constant 128 : i32
    %add3A_39 = arith.addi %mul3A_2, %add3A_38 : i32
    %dma_start3A_40 = arith.constant 0 : i32
    %dma_start3A_41 = tpu.memref_slice %arg4[%add3A_39, %dma_start3A_40] : memref<16384x256xf32, #tpu.memory_space<hbm>> -> memref<128x256xf32, #tpu.memory_space<hbm>>
    %dma_start3A_42 = arith.constant 0 : i32
    %dma_start3A_43 = tpu.memref_slice %arg4[%add3A_39, %dma_start3A_42] : memref<16384x256xf32, #tpu.memory_space<hbm>> -> memref<128x256xf32, #tpu.memory_space<hbm>>
    tpu.enqueue_dma source(%arg7 : memref<128x256xf32, #tpu.memory_space<vmem>>) target(%dma_start3A_43 : memref<128x256xf32, #tpu.memory_space<hbm>>) target_semaphore(%arg9 : memref<!tpu.dma_semaphore, #tpu.memory_space<semaphore_mem>>)
    %add3A_44 = arith.constant 256 : i32
    %add3A_45 = arith.addi %mul3A_2, %add3A_44 : i32
    %run_scoped3A_46 = arith.constant 2 : i32
    "tpu.region"() ({
      %run_scoped3A_106 = tpu.sem_alloc : memref<!tpu.dma_semaphore, #tpu.memory_space<semaphore_mem>>
      %dma_start3A_107 = arith.constant 0 : i32
      %dma_start3A_108 = tpu.memref_slice %arg5[%run_scoped3A_46, %dma_start3A_107] : memref<4x128xi32, #tpu.memory_space<vmem>> -> memref<1x128xi32, #tpu.memory_space<vmem>>
      %dma_start3A_109 = tpu.memref_squeeze %dma_start3A_108 : memref<1x128xi32, #tpu.memory_space<vmem>> -> memref<128xi32, #tpu.memory_space<vmem>>
      %dma_start3A_110 = tpu.memref_slice %arg3[%add3A_45] : memref<16384xi32, #tpu.memory_space<hbm>> -> memref<128xi32, #tpu.memory_space<hbm>>
      %dma_start3A_111 = arith.constant 0 : i32
      %dma_start3A_112 = tpu.memref_slice %arg5[%run_scoped3A_46, %dma_start3A_111] : memref<4x128xi32, #tpu.memory_space<vmem>> -> memref<1x128xi32, #tpu.memory_space<vmem>>
      %dma_start3A_113 = tpu.memref_squeeze %dma_start3A_112 : memref<1x128xi32, #tpu.memory_space<vmem>> -> memref<128xi32, #tpu.memory_space<vmem>>
      %dma_start3A_114 = tpu.memref_slice %arg3[%add3A_45] : memref<16384xi32, #tpu.memory_space<hbm>> -> memref<128xi32, #tpu.memory_space<hbm>>
      tpu.enqueue_dma source(%dma_start3A_114 : memref<128xi32, #tpu.memory_space<hbm>>) target(%dma_start3A_113 : memref<128xi32, #tpu.memory_space<vmem>>) target_semaphore(%run_scoped3A_106 : memref<!tpu.dma_semaphore, #tpu.memory_space<semaphore_mem>>)
      %dma_wait3A_115 = arith.constant 0 : i32
      %dma_wait3A_116 = tpu.memref_slice %arg5[%run_scoped3A_46, %dma_wait3A_115] : memref<4x128xi32, #tpu.memory_space<vmem>> -> memref<1x128xi32, #tpu.memory_space<vmem>>
      %dma_wait3A_117 = tpu.memref_squeeze %dma_wait3A_116 : memref<1x128xi32, #tpu.memory_space<vmem>> -> memref<128xi32, #tpu.memory_space<vmem>>
      %dma_wait3A_118 = tpu.memref_slice %arg3[%add3A_45] : memref<16384xi32, #tpu.memory_space<hbm>> -> memref<128xi32, #tpu.memory_space<hbm>>
      %dma_wait3A_119 = arith.constant 0 : i32
      %dma_wait3A_120 = tpu.memref_slice %arg5[%run_scoped3A_46, %dma_wait3A_119] : memref<4x128xi32, #tpu.memory_space<vmem>> -> memref<1x128xi32, #tpu.memory_space<vmem>>
      %dma_wait3A_121 = tpu.memref_squeeze %dma_wait3A_120 : memref<1x128xi32, #tpu.memory_space<vmem>> -> memref<128xi32, #tpu.memory_space<vmem>>
      %dma_wait3A_122 = tpu.memref_slice %arg3[%add3A_45] : memref<16384xi32, #tpu.memory_space<hbm>> -> memref<128xi32, #tpu.memory_space<hbm>>
      tpu.wait_dma2 semaphore(%run_scoped3A_106 : memref<!tpu.dma_semaphore, #tpu.memory_space<semaphore_mem>>) src(%dma_wait3A_122 : memref<128xi32, #tpu.memory_space<hbm>>) dst(%dma_wait3A_121 : memref<128xi32, #tpu.memory_space<vmem>>)
      tpu.yield
    }) : () -> ()
    %dma_wait3A_47 = arith.constant 0 : i32
    %dma_wait3A_48 = tpu.memref_slice %arg4[%add3A_16, %dma_wait3A_47] : memref<16384x256xf32, #tpu.memory_space<hbm>> -> memref<128x256xf32, #tpu.memory_space<hbm>>
    %dma_wait3A_49 = arith.constant 0 : i32
    %dma_wait3A_50 = tpu.memref_slice %arg4[%add3A_16, %dma_wait3A_49] : memref<16384x256xf32, #tpu.memory_space<hbm>> -> memref<128x256xf32, #tpu.memory_space<hbm>>
    tpu.wait_dma2 semaphore(%arg9 : memref<!tpu.dma_semaphore, #tpu.memory_space<semaphore_mem>>) src(%arg6 : memref<128x256xf32, #tpu.memory_space<vmem>>) dst(%dma_wait3A_50 : memref<128x256xf32, #tpu.memory_space<hbm>>)
    %dma_start3A_51 = arith.constant 2 : i32
    %dma_start3A_52 = arith.constant 0 : i32
    %dma_start3A_53 = tpu.memref_slice %arg5[%dma_start3A_51, %dma_start3A_52] : memref<4x128xi32, #tpu.memory_space<vmem>> -> memref<1x128xi32, #tpu.memory_space<vmem>>
    %dma_start3A_54 = tpu.memref_squeeze %dma_start3A_53 : memref<1x128xi32, #tpu.memory_space<vmem>> -> memref<128xi32, #tpu.memory_space<vmem>>
    %dma_start3A_55 = arith.constant 0 : i32
    %dma_start3A_56 = arith.constant 0 : i32
    %dma_start3A_57 = tpu.memref_slice %arg2[%dma_start3A_55, %dma_start3A_56] : memref<8192x256xf32, #tpu.memory_space<hbm>> -> memref<8192x256xf32, #tpu.memory_space<hbm>>
    tpu.enqueue_indirect_dma source(%dma_start3A_57 : memref<8192x256xf32, #tpu.memory_space<hbm>>) target(%arg6 : memref<128x256xf32, #tpu.memory_space<vmem>>) offsets(%dma_start3A_54 : memref<128xi32, #tpu.memory_space<vmem>>) semaphore(%arg8 : memref<!tpu.dma_semaphore, #tpu.memory_space<semaphore_mem>>)
    %dma_wait3A_58 = arith.constant 2 : i32
    %dma_wait3A_59 = arith.constant 0 : i32
    %dma_wait3A_60 = tpu.memref_slice %arg5[%dma_wait3A_58, %dma_wait3A_59] : memref<4x128xi32, #tpu.memory_space<vmem>> -> memref<1x128xi32, #tpu.memory_space<vmem>>
    %dma_wait3A_61 = tpu.memref_squeeze %dma_wait3A_60 : memref<1x128xi32, #tpu.memory_space<vmem>> -> memref<128xi32, #tpu.memory_space<vmem>>
    %dma_wait3A_62 = arith.constant 0 : i32
    %dma_wait3A_63 = arith.constant 0 : i32
    %dma_wait3A_64 = tpu.memref_slice %arg2[%dma_wait3A_62, %dma_wait3A_63] : memref<8192x256xf32, #tpu.memory_space<hbm>> -> memref<8192x256xf32, #tpu.memory_space<hbm>>
    tpu.wait_indirect_dma semaphore(%arg8 : memref<!tpu.dma_semaphore, #tpu.memory_space<semaphore_mem>>) src(%dma_wait3A_64 : memref<8192x256xf32, #tpu.memory_space<hbm>>) dst(%arg6 : memref<128x256xf32, #tpu.memory_space<vmem>>)
    %add3A_65 = arith.constant 256 : i32
    %add3A_66 = arith.addi %mul3A_2, %add3A_65 : i32
    %dma_start3A_67 = arith.constant 0 : i32
    %dma_start3A_68 = tpu.memref_slice %arg4[%add3A_66, %dma_start3A_67] : memref<16384x256xf32, #tpu.memory_space<hbm>> -> memref<128x256xf32, #tpu.memory_space<hbm>>
    %dma_start3A_69 = arith.constant 0 : i32
    %dma_start3A_70 = tpu.memref_slice %arg4[%add3A_66, %dma_start3A_69] : memref<16384x256xf32, #tpu.memory_space<hbm>> -> memref<128x256xf32, #tpu.memory_space<hbm>>
    tpu.enqueue_dma source(%arg6 : memref<128x256xf32, #tpu.memory_space<vmem>>) target(%dma_start3A_70 : memref<128x256xf32, #tpu.memory_space<hbm>>) target_semaphore(%arg9 : memref<!tpu.dma_semaphore, #tpu.memory_space<semaphore_mem>>)
    %add3A_71 = arith.constant 384 : i32
    %add3A_72 = arith.addi %mul3A_2, %add3A_71 : i32
    %run_scoped3A_73 = arith.constant 3 : i32
    "tpu.region"() ({
      %run_scoped3A_106 = tpu.sem_alloc : memref<!tpu.dma_semaphore, #tpu.memory_space<semaphore_mem>>
      %dma_start3A_107 = arith.constant 0 : i32
      %dma_start3A_108 = tpu.memref_slice %arg5[%run_scoped3A_73, %dma_start3A_107] : memref<4x128xi32, #tpu.memory_space<vmem>> -> memref<1x128xi32, #tpu.memory_space<vmem>>
      %dma_start3A_109 = tpu.memref_squeeze %dma_start3A_108 : memref<1x128xi32, #tpu.memory_space<vmem>> -> memref<128xi32, #tpu.memory_space<vmem>>
      %dma_start3A_110 = tpu.memref_slice %arg3[%add3A_72] : memref<16384xi32, #tpu.memory_space<hbm>> -> memref<128xi32, #tpu.memory_space<hbm>>
      %dma_start3A_111 = arith.constant 0 : i32
      %dma_start3A_112 = tpu.memref_slice %arg5[%run_scoped3A_73, %dma_start3A_111] : memref<4x128xi32, #tpu.memory_space<vmem>> -> memref<1x128xi32, #tpu.memory_space<vmem>>
      %dma_start3A_113 = tpu.memref_squeeze %dma_start3A_112 : memref<1x128xi32, #tpu.memory_space<vmem>> -> memref<128xi32, #tpu.memory_space<vmem>>
      %dma_start3A_114 = tpu.memref_slice %arg3[%add3A_72] : memref<16384xi32, #tpu.memory_space<hbm>> -> memref<128xi32, #tpu.memory_space<hbm>>
      tpu.enqueue_dma source(%dma_start3A_114 : memref<128xi32, #tpu.memory_space<hbm>>) target(%dma_start3A_113 : memref<128xi32, #tpu.memory_space<vmem>>) target_semaphore(%run_scoped3A_106 : memref<!tpu.dma_semaphore, #tpu.memory_space<semaphore_mem>>)
      %dma_wait3A_115 = arith.constant 0 : i32
      %dma_wait3A_116 = tpu.memref_slice %arg5[%run_scoped3A_73, %dma_wait3A_115] : memref<4x128xi32, #tpu.memory_space<vmem>> -> memref<1x128xi32, #tpu.memory_space<vmem>>
      %dma_wait3A_117 = tpu.memref_squeeze %dma_wait3A_116 : memref<1x128xi32, #tpu.memory_space<vmem>> -> memref<128xi32, #tpu.memory_space<vmem>>
      %dma_wait3A_118 = tpu.memref_slice %arg3[%add3A_72] : memref<16384xi32, #tpu.memory_space<hbm>> -> memref<128xi32, #tpu.memory_space<hbm>>
      %dma_wait3A_119 = arith.constant 0 : i32
      %dma_wait3A_120 = tpu.memref_slice %arg5[%run_scoped3A_73, %dma_wait3A_119] : memref<4x128xi32, #tpu.memory_space<vmem>> -> memref<1x128xi32, #tpu.memory_space<vmem>>
      %dma_wait3A_121 = tpu.memref_squeeze %dma_wait3A_120 : memref<1x128xi32, #tpu.memory_space<vmem>> -> memref<128xi32, #tpu.memory_space<vmem>>
      %dma_wait3A_122 = tpu.memref_slice %arg3[%add3A_72] : memref<16384xi32, #tpu.memory_space<hbm>> -> memref<128xi32, #tpu.memory_space<hbm>>
      tpu.wait_dma2 semaphore(%run_scoped3A_106 : memref<!tpu.dma_semaphore, #tpu.memory_space<semaphore_mem>>) src(%dma_wait3A_122 : memref<128xi32, #tpu.memory_space<hbm>>) dst(%dma_wait3A_121 : memref<128xi32, #tpu.memory_space<vmem>>)
      tpu.yield
    }) : () -> ()
    %dma_wait3A_74 = arith.constant 0 : i32
    %dma_wait3A_75 = tpu.memref_slice %arg4[%add3A_39, %dma_wait3A_74] : memref<16384x256xf32, #tpu.memory_space<hbm>> -> memref<128x256xf32, #tpu.memory_space<hbm>>
    %dma_wait3A_76 = arith.constant 0 : i32
    %dma_wait3A_77 = tpu.memref_slice %arg4[%add3A_39, %dma_wait3A_76] : memref<16384x256xf32, #tpu.memory_space<hbm>> -> memref<128x256xf32, #tpu.memory_space<hbm>>
    tpu.wait_dma2 semaphore(%arg9 : memref<!tpu.dma_semaphore, #tpu.memory_space<semaphore_mem>>) src(%arg7 : memref<128x256xf32, #tpu.memory_space<vmem>>) dst(%dma_wait3A_77 : memref<128x256xf32, #tpu.memory_space<hbm>>)
    %dma_start3A_78 = arith.constant 3 : i32
    %dma_start3A_79 = arith.constant 0 : i32
    %dma_start3A_80 = tpu.memref_slice %arg5[%dma_start3A_78, %dma_start3A_79] : memref<4x128xi32, #tpu.memory_space<vmem>> -> memref<1x128xi32, #tpu.memory_space<vmem>>
    %dma_start3A_81 = tpu.memref_squeeze %dma_start3A_80 : memref<1x128xi32, #tpu.memory_space<vmem>> -> memref<128xi32, #tpu.memory_space<vmem>>
    %dma_start3A_82 = arith.constant 0 : i32
    %dma_start3A_83 = arith.constant 0 : i32
    %dma_start3A_84 = tpu.memref_slice %arg2[%dma_start3A_82, %dma_start3A_83] : memref<8192x256xf32, #tpu.memory_space<hbm>> -> memref<8192x256xf32, #tpu.memory_space<hbm>>
    tpu.enqueue_indirect_dma source(%dma_start3A_84 : memref<8192x256xf32, #tpu.memory_space<hbm>>) target(%arg7 : memref<128x256xf32, #tpu.memory_space<vmem>>) offsets(%dma_start3A_81 : memref<128xi32, #tpu.memory_space<vmem>>) semaphore(%arg8 : memref<!tpu.dma_semaphore, #tpu.memory_space<semaphore_mem>>)
    %dma_wait3A_85 = arith.constant 3 : i32
    %dma_wait3A_86 = arith.constant 0 : i32
    %dma_wait3A_87 = tpu.memref_slice %arg5[%dma_wait3A_85, %dma_wait3A_86] : memref<4x128xi32, #tpu.memory_space<vmem>> -> memref<1x128xi32, #tpu.memory_space<vmem>>
    %dma_wait3A_88 = tpu.memref_squeeze %dma_wait3A_87 : memref<1x128xi32, #tpu.memory_space<vmem>> -> memref<128xi32, #tpu.memory_space<vmem>>
    %dma_wait3A_89 = arith.constant 0 : i32
    %dma_wait3A_90 = arith.constant 0 : i32
    %dma_wait3A_91 = tpu.memref_slice %arg2[%dma_wait3A_89, %dma_wait3A_90] : memref<8192x256xf32, #tpu.memory_space<hbm>> -> memref<8192x256xf32, #tpu.memory_space<hbm>>
    tpu.wait_indirect_dma semaphore(%arg8 : memref<!tpu.dma_semaphore, #tpu.memory_space<semaphore_mem>>) src(%dma_wait3A_91 : memref<8192x256xf32, #tpu.memory_space<hbm>>) dst(%arg7 : memref<128x256xf32, #tpu.memory_space<vmem>>)
    %add3A_92 = arith.constant 384 : i32
    %add3A_93 = arith.addi %mul3A_2, %add3A_92 : i32
    %dma_start3A_94 = arith.constant 0 : i32
    %dma_start3A_95 = tpu.memref_slice %arg4[%add3A_93, %dma_start3A_94] : memref<16384x256xf32, #tpu.memory_space<hbm>> -> memref<128x256xf32, #tpu.memory_space<hbm>>
    %dma_start3A_96 = arith.constant 0 : i32
    %dma_start3A_97 = tpu.memref_slice %arg4[%add3A_93, %dma_start3A_96] : memref<16384x256xf32, #tpu.memory_space<hbm>> -> memref<128x256xf32, #tpu.memory_space<hbm>>
    tpu.enqueue_dma source(%arg7 : memref<128x256xf32, #tpu.memory_space<vmem>>) target(%dma_start3A_97 : memref<128x256xf32, #tpu.memory_space<hbm>>) target_semaphore(%arg9 : memref<!tpu.dma_semaphore, #tpu.memory_space<semaphore_mem>>)
    %dma_wait3A_98 = arith.constant 0 : i32
    %dma_wait3A_99 = tpu.memref_slice %arg4[%add3A_66, %dma_wait3A_98] : memref<16384x256xf32, #tpu.memory_space<hbm>> -> memref<128x256xf32, #tpu.memory_space<hbm>>
    %dma_wait3A_100 = arith.constant 0 : i32
    %dma_wait3A_101 = tpu.memref_slice %arg4[%add3A_66, %dma_wait3A_100] : memref<16384x256xf32, #tpu.memory_space<hbm>> -> memref<128x256xf32, #tpu.memory_space<hbm>>
    tpu.wait_dma2 semaphore(%arg9 : memref<!tpu.dma_semaphore, #tpu.memory_space<semaphore_mem>>) src(%arg6 : memref<128x256xf32, #tpu.memory_space<vmem>>) dst(%dma_wait3A_101 : memref<128x256xf32, #tpu.memory_space<hbm>>)
    %dma_wait3A_102 = arith.constant 0 : i32
    %dma_wait3A_103 = tpu.memref_slice %arg4[%add3A_93, %dma_wait3A_102] : memref<16384x256xf32, #tpu.memory_space<hbm>> -> memref<128x256xf32, #tpu.memory_space<hbm>>
    %dma_wait3A_104 = arith.constant 0 : i32
    %dma_wait3A_105 = tpu.memref_slice %arg4[%add3A_93, %dma_wait3A_104] : memref<16384x256xf32, #tpu.memory_space<hbm>> -> memref<128x256xf32, #tpu.memory_space<hbm>>
    tpu.wait_dma2 semaphore(%arg9 : memref<!tpu.dma_semaphore, #tpu.memory_space<semaphore_mem>>) src(%arg7 : memref<128x256xf32, #tpu.memory_space<vmem>>) dst(%dma_wait3A_105 : memref<128x256xf32, #tpu.memory_space<hbm>>)
    return
  }
}

module attributes {stable_mosaic.version = 14 : i64} {
  func.func @_argmin_body(%arg0: i32, %arg1: memref<1024x256xf32, #tpu.memory_space<vmem>>, %arg2: memref<8192x256xf32, #tpu.memory_space<vmem>>, %arg3: memref<1x8192xf32, #tpu.memory_space<vmem>>, %arg4: memref<1024x1xi32, #tpu.memory_space<vmem>>, %arg5: memref<1x1xf32, #tpu.memory_space<smem>>, %arg6: memref<8192x256xbf16, #tpu.memory_space<vmem>>) attributes {dimension_semantics = [#tpu.dimension_semantics<arbitrary>], iteration_bounds = array<i64: 16>, scalar_prefetch = 0 : i64, scratch_operands = 1 : i64, tpu.core_type = #tpu.core_type<tc>, window_params = [{transform_indices = @transform_0, window_bounds = array<i64: 1024, 256>}, {pipeline_mode = #tpu.pipeline_mode<synchronous>, transform_indices = @transform_1, window_bounds = array<i64: 8192, 256>}, {pipeline_mode = #tpu.pipeline_mode<synchronous>, transform_indices = @transform_2, window_bounds = array<i64: 1, 8192>}, {transform_indices = @transform_3, window_bounds = array<i64: 1024, 1>}, {transform_indices = @transform_4, window_bounds = array<i64: 1, 1>}]} {
    %eq3A = arith.constant 0 : i32
    %eq3A_0 = arith.cmpi eq, %arg0, %eq3A : i32
    %convert_element_type3A = arith.extui %eq3A_0 : i1 to i32
    %cond3A = arith.constant 0 : i32
    %cond3A_1 = arith.cmpi ne, %convert_element_type3A, %cond3A : i32
    scf.if %cond3A_1 {
      %get3A_792 = arith.constant 0 : index
      %get3A_793 = arith.constant 0 : index
      %get3A_794 = vector.load %arg2[%get3A_792, %get3A_793] : memref<8192x256xf32, #tpu.memory_space<vmem>>, vector<8192x256xf32>
      %convert_element_type3A_795 = arith.truncf %get3A_794 : vector<8192x256xf32> to vector<8192x256xbf16>
      %swap3A_796 = arith.constant 0 : index
      %swap3A_797 = arith.constant 0 : index
      %swap3A_798 = vector.load %arg6[%swap3A_796, %swap3A_797] : memref<8192x256xbf16, #tpu.memory_space<vmem>>, vector<8192x256xbf16>
      tpu.vector_store %arg6[%swap3A_796, %swap3A_797], %convert_element_type3A_795 {strides = array<i32>} : memref<8192x256xbf16, #tpu.memory_space<vmem>>, vector<8192x256xbf16>,
    } else {
    }
    %get3A = arith.constant 0 : index
    %get3A_2 = arith.constant 0 : index
    %get3A_3 = vector.load %arg1[%get3A, %get3A_2] : memref<1024x256xf32, #tpu.memory_space<vmem>>, vector<1024x256xf32>
    %mul3A = arith.mulf %get3A_3, %get3A_3 : vector<1024x256xf32>
    %reduce_sum3A = arith.constant dense<0.000000e+00> : vector<1024xf32>
    %reduce_sum3A_4 = vector.multi_reduction <add>, %mul3A, %reduce_sum3A [1] : vector<1024x256xf32> to vector<1024xf32>
    %broadcast_in_dim3A = vector.shape_cast %reduce_sum3A_4 : vector<1024xf32> to vector<1024x1xf32>
    %mul3A_5 = arith.constant -2.000000e+00 : f32
    %mul3A_6 = vector.broadcast %mul3A_5 : f32 to vector<1024x256xf32>
    %mul3A_7 = arith.mulf %mul3A_6, %get3A_3 : vector<1024x256xf32>
    %convert_element_type3A_8 = arith.truncf %mul3A_7 : vector<1024x256xf32> to vector<1024x256xbf16>
    %get3A_9 = arith.constant 0 : index
    %get3A_10 = arith.constant 0 : index
    %get3A_11 = vector.load %arg6[%get3A_9, %get3A_10] : memref<8192x256xbf16, #tpu.memory_space<vmem>>, vector<8192x256xbf16>
    %dot_general3A = arith.constant dense<0.000000e+00> : vector<1024x8192xf32>
    %dot_general3A_12 = tpu.matmul %convert_element_type3A_8, %get3A_11, %dot_general3A {dimension_numbers = #tpu.dot_dimension_numbers<[1], [1], [0], [0], [0, 0, 1, 0], [], []>, transpose_lhs_hint = false} : vector<1024x256xbf16>, vector<8192x256xbf16>, vector<1024x8192xf32> -> vector<1024x8192xf32>
    %get3A_13 = arith.constant 0 : index
    %get3A_14 = arith.constant 0 : index
    %get3A_15 = vector.load %arg3[%get3A_13, %get3A_14] : memref<1x8192xf32, #tpu.memory_space<vmem>>, vector<1x8192xf32>
    %slice3A = vector.extract_strided_slice %dot_general3A_12 {offsets = [0, 0], sizes = [1024, 128], strides = [1, 1]} : vector<1024x8192xf32> to vector<1024x128xf32>
    %add3A = vector.broadcast %broadcast_in_dim3A : vector<1024x1xf32> to vector<1024x128xf32>
    %add3A_16 = arith.addf %add3A, %slice3A : vector<1024x128xf32>
    %slice3A_17 = vector.extract_strided_slice %get3A_15 {offsets = [0, 0], sizes = [1, 128], strides = [1, 1]} : vector<1x8192xf32> to vector<1x128xf32>
    %add3A_18 = vector.broadcast %slice3A_17 : vector<1x128xf32> to vector<1024x128xf32>
    %add3A_19 = arith.addf %add3A_16, %add3A_18 : vector<1024x128xf32>
    %broadcast_in_dim3A_20 = arith.constant 0.000000e+00 : f32
    %broadcast_in_dim3A_21 = vector.broadcast %broadcast_in_dim3A_20 : f32 to vector<1024x128xf32>
    %slice3A_22 = vector.extract_strided_slice %dot_general3A_12 {offsets = [0, 128], sizes = [1024, 128], strides = [1, 1]} : vector<1024x8192xf32> to vector<1024x128xf32>
    %add3A_23 = vector.broadcast %broadcast_in_dim3A : vector<1024x1xf32> to vector<1024x128xf32>
    %add3A_24 = arith.addf %add3A_23, %slice3A_22 : vector<1024x128xf32>
    %slice3A_25 = vector.extract_strided_slice %get3A_15 {offsets = [0, 128], sizes = [1, 128], strides = [1, 1]} : vector<1x8192xf32> to vector<1x128xf32>
    %add3A_26 = vector.broadcast %slice3A_25 : vector<1x128xf32> to vector<1024x128xf32>
    %add3A_27 = arith.addf %add3A_24, %add3A_26 : vector<1024x128xf32>
    %lt3A = arith.cmpf olt, %add3A_27, %add3A_19 : vector<1024x128xf32>
    %select_n3A = arith.select %lt3A, %add3A_27, %add3A_19 : vector<1024x128xi1>, vector<1024x128xf32>
    %jit3A = arith.constant 1.000000e+00 : f32
    %broadcast_in_dim3A_28 = vector.broadcast %jit3A : f32 to vector<1024x128xf32>
    %select_n3A_29 = arith.select %lt3A, %broadcast_in_dim3A_28, %broadcast_in_dim3A_21 : vector<1024x128xi1>, vector<1024x128xf32>
    %slice3A_30 = vector.extract_strided_slice %dot_general3A_12 {offsets = [0, 256], sizes = [1024, 128], strides = [1, 1]} : vector<1024x8192xf32> to vector<1024x128xf32>
    %add3A_31 = vector.broadcast %broadcast_in_dim3A : vector<1024x1xf32> to vector<1024x128xf32>
    %add3A_32 = arith.addf %add3A_31, %slice3A_30 : vector<1024x128xf32>
    %slice3A_33 = vector.extract_strided_slice %get3A_15 {offsets = [0, 256], sizes = [1, 128], strides = [1, 1]} : vector<1x8192xf32> to vector<1x128xf32>
    %add3A_34 = vector.broadcast %slice3A_33 : vector<1x128xf32> to vector<1024x128xf32>
    %add3A_35 = arith.addf %add3A_32, %add3A_34 : vector<1024x128xf32>
    %lt3A_36 = arith.cmpf olt, %add3A_35, %select_n3A : vector<1024x128xf32>
    %select_n3A_37 = arith.select %lt3A_36, %add3A_35, %select_n3A : vector<1024x128xi1>, vector<1024x128xf32>
    %jit3A_38 = arith.constant 2.000000e+00 : f32
    %broadcast_in_dim3A_39 = vector.broadcast %jit3A_38 : f32 to vector<1024x128xf32>
    %select_n3A_40 = arith.select %lt3A_36, %broadcast_in_dim3A_39, %select_n3A_29 : vector<1024x128xi1>, vector<1024x128xf32>
    %slice3A_41 = vector.extract_strided_slice %dot_general3A_12 {offsets = [0, 384], sizes = [1024, 128], strides = [1, 1]} : vector<1024x8192xf32> to vector<1024x128xf32>
    %add3A_42 = vector.broadcast %broadcast_in_dim3A : vector<1024x1xf32> to vector<1024x128xf32>
    %add3A_43 = arith.addf %add3A_42, %slice3A_41 : vector<1024x128xf32>
    %slice3A_44 = vector.extract_strided_slice %get3A_15 {offsets = [0, 384], sizes = [1, 128], strides = [1, 1]} : vector<1x8192xf32> to vector<1x128xf32>
    %add3A_45 = vector.broadcast %slice3A_44 : vector<1x128xf32> to vector<1024x128xf32>
    %add3A_46 = arith.addf %add3A_43, %add3A_45 : vector<1024x128xf32>
    %lt3A_47 = arith.cmpf olt, %add3A_46, %select_n3A_37 : vector<1024x128xf32>
    %select_n3A_48 = arith.select %lt3A_47, %add3A_46, %select_n3A_37 : vector<1024x128xi1>, vector<1024x128xf32>
    %jit3A_49 = arith.constant 3.000000e+00 : f32
    %broadcast_in_dim3A_50 = vector.broadcast %jit3A_49 : f32 to vector<1024x128xf32>
    %select_n3A_51 = arith.select %lt3A_47, %broadcast_in_dim3A_50, %select_n3A_40 : vector<1024x128xi1>, vector<1024x128xf32>
    %slice3A_52 = vector.extract_strided_slice %dot_general3A_12 {offsets = [0, 512], sizes = [1024, 128], strides = [1, 1]} : vector<1024x8192xf32> to vector<1024x128xf32>
    %add3A_53 = vector.broadcast %broadcast_in_dim3A : vector<1024x1xf32> to vector<1024x128xf32>
    %add3A_54 = arith.addf %add3A_53, %slice3A_52 : vector<1024x128xf32>
    %slice3A_55 = vector.extract_strided_slice %get3A_15 {offsets = [0, 512], sizes = [1, 128], strides = [1, 1]} : vector<1x8192xf32> to vector<1x128xf32>
    %add3A_56 = vector.broadcast %slice3A_55 : vector<1x128xf32> to vector<1024x128xf32>
    %add3A_57 = arith.addf %add3A_54, %add3A_56 : vector<1024x128xf32>
    %lt3A_58 = arith.cmpf olt, %add3A_57, %select_n3A_48 : vector<1024x128xf32>
    %select_n3A_59 = arith.select %lt3A_58, %add3A_57, %select_n3A_48 : vector<1024x128xi1>, vector<1024x128xf32>
    %jit3A_60 = arith.constant 4.000000e+00 : f32
    %broadcast_in_dim3A_61 = vector.broadcast %jit3A_60 : f32 to vector<1024x128xf32>
    %select_n3A_62 = arith.select %lt3A_58, %broadcast_in_dim3A_61, %select_n3A_51 : vector<1024x128xi1>, vector<1024x128xf32>
    %slice3A_63 = vector.extract_strided_slice %dot_general3A_12 {offsets = [0, 640], sizes = [1024, 128], strides = [1, 1]} : vector<1024x8192xf32> to vector<1024x128xf32>
    %add3A_64 = vector.broadcast %broadcast_in_dim3A : vector<1024x1xf32> to vector<1024x128xf32>
    %add3A_65 = arith.addf %add3A_64, %slice3A_63 : vector<1024x128xf32>
    %slice3A_66 = vector.extract_strided_slice %get3A_15 {offsets = [0, 640], sizes = [1, 128], strides = [1, 1]} : vector<1x8192xf32> to vector<1x128xf32>
    %add3A_67 = vector.broadcast %slice3A_66 : vector<1x128xf32> to vector<1024x128xf32>
    %add3A_68 = arith.addf %add3A_65, %add3A_67 : vector<1024x128xf32>
    %lt3A_69 = arith.cmpf olt, %add3A_68, %select_n3A_59 : vector<1024x128xf32>
    %select_n3A_70 = arith.select %lt3A_69, %add3A_68, %select_n3A_59 : vector<1024x128xi1>, vector<1024x128xf32>
    %jit3A_71 = arith.constant 5.000000e+00 : f32
    %broadcast_in_dim3A_72 = vector.broadcast %jit3A_71 : f32 to vector<1024x128xf32>
    %select_n3A_73 = arith.select %lt3A_69, %broadcast_in_dim3A_72, %select_n3A_62 : vector<1024x128xi1>, vector<1024x128xf32>
    %slice3A_74 = vector.extract_strided_slice %dot_general3A_12 {offsets = [0, 768], sizes = [1024, 128], strides = [1, 1]} : vector<1024x8192xf32> to vector<1024x128xf32>
    %add3A_75 = vector.broadcast %broadcast_in_dim3A : vector<1024x1xf32> to vector<1024x128xf32>
    %add3A_76 = arith.addf %add3A_75, %slice3A_74 : vector<1024x128xf32>
    %slice3A_77 = vector.extract_strided_slice %get3A_15 {offsets = [0, 768], sizes = [1, 128], strides = [1, 1]} : vector<1x8192xf32> to vector<1x128xf32>
    %add3A_78 = vector.broadcast %slice3A_77 : vector<1x128xf32> to vector<1024x128xf32>
    %add3A_79 = arith.addf %add3A_76, %add3A_78 : vector<1024x128xf32>
    %lt3A_80 = arith.cmpf olt, %add3A_79, %select_n3A_70 : vector<1024x128xf32>
    %select_n3A_81 = arith.select %lt3A_80, %add3A_79, %select_n3A_70 : vector<1024x128xi1>, vector<1024x128xf32>
    %jit3A_82 = arith.constant 6.000000e+00 : f32
    %broadcast_in_dim3A_83 = vector.broadcast %jit3A_82 : f32 to vector<1024x128xf32>
    %select_n3A_84 = arith.select %lt3A_80, %broadcast_in_dim3A_83, %select_n3A_73 : vector<1024x128xi1>, vector<1024x128xf32>
    %slice3A_85 = vector.extract_strided_slice %dot_general3A_12 {offsets = [0, 896], sizes = [1024, 128], strides = [1, 1]} : vector<1024x8192xf32> to vector<1024x128xf32>
    %add3A_86 = vector.broadcast %broadcast_in_dim3A : vector<1024x1xf32> to vector<1024x128xf32>
    %add3A_87 = arith.addf %add3A_86, %slice3A_85 : vector<1024x128xf32>
    %slice3A_88 = vector.extract_strided_slice %get3A_15 {offsets = [0, 896], sizes = [1, 128], strides = [1, 1]} : vector<1x8192xf32> to vector<1x128xf32>
    %add3A_89 = vector.broadcast %slice3A_88 : vector<1x128xf32> to vector<1024x128xf32>
    %add3A_90 = arith.addf %add3A_87, %add3A_89 : vector<1024x128xf32>
    %lt3A_91 = arith.cmpf olt, %add3A_90, %select_n3A_81 : vector<1024x128xf32>
    %select_n3A_92 = arith.select %lt3A_91, %add3A_90, %select_n3A_81 : vector<1024x128xi1>, vector<1024x128xf32>
    %jit3A_93 = arith.constant 7.000000e+00 : f32
    %broadcast_in_dim3A_94 = vector.broadcast %jit3A_93 : f32 to vector<1024x128xf32>
    %select_n3A_95 = arith.select %lt3A_91, %broadcast_in_dim3A_94, %select_n3A_84 : vector<1024x128xi1>, vector<1024x128xf32>
    %slice3A_96 = vector.extract_strided_slice %dot_general3A_12 {offsets = [0, 1024], sizes = [1024, 128], strides = [1, 1]} : vector<1024x8192xf32> to vector<1024x128xf32>
    %add3A_97 = vector.broadcast %broadcast_in_dim3A : vector<1024x1xf32> to vector<1024x128xf32>
    %add3A_98 = arith.addf %add3A_97, %slice3A_96 : vector<1024x128xf32>
    %slice3A_99 = vector.extract_strided_slice %get3A_15 {offsets = [0, 1024], sizes = [1, 128], strides = [1, 1]} : vector<1x8192xf32> to vector<1x128xf32>
    %add3A_100 = vector.broadcast %slice3A_99 : vector<1x128xf32> to vector<1024x128xf32>
    %add3A_101 = arith.addf %add3A_98, %add3A_100 : vector<1024x128xf32>
    %lt3A_102 = arith.cmpf olt, %add3A_101, %select_n3A_92 : vector<1024x128xf32>
    %select_n3A_103 = arith.select %lt3A_102, %add3A_101, %select_n3A_92 : vector<1024x128xi1>, vector<1024x128xf32>
    %jit3A_104 = arith.constant 8.000000e+00 : f32
    %broadcast_in_dim3A_105 = vector.broadcast %jit3A_104 : f32 to vector<1024x128xf32>
    %select_n3A_106 = arith.select %lt3A_102, %broadcast_in_dim3A_105, %select_n3A_95 : vector<1024x128xi1>, vector<1024x128xf32>
    %slice3A_107 = vector.extract_strided_slice %dot_general3A_12 {offsets = [0, 1152], sizes = [1024, 128], strides = [1, 1]} : vector<1024x8192xf32> to vector<1024x128xf32>
    %add3A_108 = vector.broadcast %broadcast_in_dim3A : vector<1024x1xf32> to vector<1024x128xf32>
    %add3A_109 = arith.addf %add3A_108, %slice3A_107 : vector<1024x128xf32>
    %slice3A_110 = vector.extract_strided_slice %get3A_15 {offsets = [0, 1152], sizes = [1, 128], strides = [1, 1]} : vector<1x8192xf32> to vector<1x128xf32>
    %add3A_111 = vector.broadcast %slice3A_110 : vector<1x128xf32> to vector<1024x128xf32>
    %add3A_112 = arith.addf %add3A_109, %add3A_111 : vector<1024x128xf32>
    %lt3A_113 = arith.cmpf olt, %add3A_112, %select_n3A_103 : vector<1024x128xf32>
    %select_n3A_114 = arith.select %lt3A_113, %add3A_112, %select_n3A_103 : vector<1024x128xi1>, vector<1024x128xf32>
    %jit3A_115 = arith.constant 9.000000e+00 : f32
    %broadcast_in_dim3A_116 = vector.broadcast %jit3A_115 : f32 to vector<1024x128xf32>
    %select_n3A_117 = arith.select %lt3A_113, %broadcast_in_dim3A_116, %select_n3A_106 : vector<1024x128xi1>, vector<1024x128xf32>
    %slice3A_118 = vector.extract_strided_slice %dot_general3A_12 {offsets = [0, 1280], sizes = [1024, 128], strides = [1, 1]} : vector<1024x8192xf32> to vector<1024x128xf32>
    %add3A_119 = vector.broadcast %broadcast_in_dim3A : vector<1024x1xf32> to vector<1024x128xf32>
    %add3A_120 = arith.addf %add3A_119, %slice3A_118 : vector<1024x128xf32>
    %slice3A_121 = vector.extract_strided_slice %get3A_15 {offsets = [0, 1280], sizes = [1, 128], strides = [1, 1]} : vector<1x8192xf32> to vector<1x128xf32>
    %add3A_122 = vector.broadcast %slice3A_121 : vector<1x128xf32> to vector<1024x128xf32>
    %add3A_123 = arith.addf %add3A_120, %add3A_122 : vector<1024x128xf32>
    %lt3A_124 = arith.cmpf olt, %add3A_123, %select_n3A_114 : vector<1024x128xf32>
    %select_n3A_125 = arith.select %lt3A_124, %add3A_123, %select_n3A_114 : vector<1024x128xi1>, vector<1024x128xf32>
    %jit3A_126 = arith.constant 1.000000e+01 : f32
    %broadcast_in_dim3A_127 = vector.broadcast %jit3A_126 : f32 to vector<1024x128xf32>
    %select_n3A_128 = arith.select %lt3A_124, %broadcast_in_dim3A_127, %select_n3A_117 : vector<1024x128xi1>, vector<1024x128xf32>
    %slice3A_129 = vector.extract_strided_slice %dot_general3A_12 {offsets = [0, 1408], sizes = [1024, 128], strides = [1, 1]} : vector<1024x8192xf32> to vector<1024x128xf32>
    %add3A_130 = vector.broadcast %broadcast_in_dim3A : vector<1024x1xf32> to vector<1024x128xf32>
    %add3A_131 = arith.addf %add3A_130, %slice3A_129 : vector<1024x128xf32>
    %slice3A_132 = vector.extract_strided_slice %get3A_15 {offsets = [0, 1408], sizes = [1, 128], strides = [1, 1]} : vector<1x8192xf32> to vector<1x128xf32>
    %add3A_133 = vector.broadcast %slice3A_132 : vector<1x128xf32> to vector<1024x128xf32>
    %add3A_134 = arith.addf %add3A_131, %add3A_133 : vector<1024x128xf32>
    %lt3A_135 = arith.cmpf olt, %add3A_134, %select_n3A_125 : vector<1024x128xf32>
    %select_n3A_136 = arith.select %lt3A_135, %add3A_134, %select_n3A_125 : vector<1024x128xi1>, vector<1024x128xf32>
    %jit3A_137 = arith.constant 1.100000e+01 : f32
    %broadcast_in_dim3A_138 = vector.broadcast %jit3A_137 : f32 to vector<1024x128xf32>
    %select_n3A_139 = arith.select %lt3A_135, %broadcast_in_dim3A_138, %select_n3A_128 : vector<1024x128xi1>, vector<1024x128xf32>
    %slice3A_140 = vector.extract_strided_slice %dot_general3A_12 {offsets = [0, 1536], sizes = [1024, 128], strides = [1, 1]} : vector<1024x8192xf32> to vector<1024x128xf32>
    %add3A_141 = vector.broadcast %broadcast_in_dim3A : vector<1024x1xf32> to vector<1024x128xf32>
    %add3A_142 = arith.addf %add3A_141, %slice3A_140 : vector<1024x128xf32>
    %slice3A_143 = vector.extract_strided_slice %get3A_15 {offsets = [0, 1536], sizes = [1, 128], strides = [1, 1]} : vector<1x8192xf32> to vector<1x128xf32>
    %add3A_144 = vector.broadcast %slice3A_143 : vector<1x128xf32> to vector<1024x128xf32>
    %add3A_145 = arith.addf %add3A_142, %add3A_144 : vector<1024x128xf32>
    %lt3A_146 = arith.cmpf olt, %add3A_145, %select_n3A_136 : vector<1024x128xf32>
    %select_n3A_147 = arith.select %lt3A_146, %add3A_145, %select_n3A_136 : vector<1024x128xi1>, vector<1024x128xf32>
    %jit3A_148 = arith.constant 1.200000e+01 : f32
    %broadcast_in_dim3A_149 = vector.broadcast %jit3A_148 : f32 to vector<1024x128xf32>
    %select_n3A_150 = arith.select %lt3A_146, %broadcast_in_dim3A_149, %select_n3A_139 : vector<1024x128xi1>, vector<1024x128xf32>
    %slice3A_151 = vector.extract_strided_slice %dot_general3A_12 {offsets = [0, 1664], sizes = [1024, 128], strides = [1, 1]} : vector<1024x8192xf32> to vector<1024x128xf32>
    %add3A_152 = vector.broadcast %broadcast_in_dim3A : vector<1024x1xf32> to vector<1024x128xf32>
    %add3A_153 = arith.addf %add3A_152, %slice3A_151 : vector<1024x128xf32>
    %slice3A_154 = vector.extract_strided_slice %get3A_15 {offsets = [0, 1664], sizes = [1, 128], strides = [1, 1]} : vector<1x8192xf32> to vector<1x128xf32>
    %add3A_155 = vector.broadcast %slice3A_154 : vector<1x128xf32> to vector<1024x128xf32>
    %add3A_156 = arith.addf %add3A_153, %add3A_155 : vector<1024x128xf32>
    %lt3A_157 = arith.cmpf olt, %add3A_156, %select_n3A_147 : vector<1024x128xf32>
    %select_n3A_158 = arith.select %lt3A_157, %add3A_156, %select_n3A_147 : vector<1024x128xi1>, vector<1024x128xf32>
    %jit3A_159 = arith.constant 1.300000e+01 : f32
    %broadcast_in_dim3A_160 = vector.broadcast %jit3A_159 : f32 to vector<1024x128xf32>
    %select_n3A_161 = arith.select %lt3A_157, %broadcast_in_dim3A_160, %select_n3A_150 : vector<1024x128xi1>, vector<1024x128xf32>
    %slice3A_162 = vector.extract_strided_slice %dot_general3A_12 {offsets = [0, 1792], sizes = [1024, 128], strides = [1, 1]} : vector<1024x8192xf32> to vector<1024x128xf32>
    %add3A_163 = vector.broadcast %broadcast_in_dim3A : vector<1024x1xf32> to vector<1024x128xf32>
    %add3A_164 = arith.addf %add3A_163, %slice3A_162 : vector<1024x128xf32>
    %slice3A_165 = vector.extract_strided_slice %get3A_15 {offsets = [0, 1792], sizes = [1, 128], strides = [1, 1]} : vector<1x8192xf32> to vector<1x128xf32>
    %add3A_166 = vector.broadcast %slice3A_165 : vector<1x128xf32> to vector<1024x128xf32>
    %add3A_167 = arith.addf %add3A_164, %add3A_166 : vector<1024x128xf32>
    %lt3A_168 = arith.cmpf olt, %add3A_167, %select_n3A_158 : vector<1024x128xf32>
    %select_n3A_169 = arith.select %lt3A_168, %add3A_167, %select_n3A_158 : vector<1024x128xi1>, vector<1024x128xf32>
    %jit3A_170 = arith.constant 1.400000e+01 : f32
    %broadcast_in_dim3A_171 = vector.broadcast %jit3A_170 : f32 to vector<1024x128xf32>
    %select_n3A_172 = arith.select %lt3A_168, %broadcast_in_dim3A_171, %select_n3A_161 : vector<1024x128xi1>, vector<1024x128xf32>
    %slice3A_173 = vector.extract_strided_slice %dot_general3A_12 {offsets = [0, 1920], sizes = [1024, 128], strides = [1, 1]} : vector<1024x8192xf32> to vector<1024x128xf32>
    %add3A_174 = vector.broadcast %broadcast_in_dim3A : vector<1024x1xf32> to vector<1024x128xf32>
    %add3A_175 = arith.addf %add3A_174, %slice3A_173 : vector<1024x128xf32>
    %slice3A_176 = vector.extract_strided_slice %get3A_15 {offsets = [0, 1920], sizes = [1, 128], strides = [1, 1]} : vector<1x8192xf32> to vector<1x128xf32>
    %add3A_177 = vector.broadcast %slice3A_176 : vector<1x128xf32> to vector<1024x128xf32>
    %add3A_178 = arith.addf %add3A_175, %add3A_177 : vector<1024x128xf32>
    %lt3A_179 = arith.cmpf olt, %add3A_178, %select_n3A_169 : vector<1024x128xf32>
    %select_n3A_180 = arith.select %lt3A_179, %add3A_178, %select_n3A_169 : vector<1024x128xi1>, vector<1024x128xf32>
    %jit3A_181 = arith.constant 1.500000e+01 : f32
    %broadcast_in_dim3A_182 = vector.broadcast %jit3A_181 : f32 to vector<1024x128xf32>
    %select_n3A_183 = arith.select %lt3A_179, %broadcast_in_dim3A_182, %select_n3A_172 : vector<1024x128xi1>, vector<1024x128xf32>
    %slice3A_184 = vector.extract_strided_slice %dot_general3A_12 {offsets = [0, 2048], sizes = [1024, 128], strides = [1, 1]} : vector<1024x8192xf32> to vector<1024x128xf32>
    %add3A_185 = vector.broadcast %broadcast_in_dim3A : vector<1024x1xf32> to vector<1024x128xf32>
    %add3A_186 = arith.addf %add3A_185, %slice3A_184 : vector<1024x128xf32>
    %slice3A_187 = vector.extract_strided_slice %get3A_15 {offsets = [0, 2048], sizes = [1, 128], strides = [1, 1]} : vector<1x8192xf32> to vector<1x128xf32>
    %add3A_188 = vector.broadcast %slice3A_187 : vector<1x128xf32> to vector<1024x128xf32>
    %add3A_189 = arith.addf %add3A_186, %add3A_188 : vector<1024x128xf32>
    %lt3A_190 = arith.cmpf olt, %add3A_189, %select_n3A_180 : vector<1024x128xf32>
    %select_n3A_191 = arith.select %lt3A_190, %add3A_189, %select_n3A_180 : vector<1024x128xi1>, vector<1024x128xf32>
    %jit3A_192 = arith.constant 1.600000e+01 : f32
    %broadcast_in_dim3A_193 = vector.broadcast %jit3A_192 : f32 to vector<1024x128xf32>
    %select_n3A_194 = arith.select %lt3A_190, %broadcast_in_dim3A_193, %select_n3A_183 : vector<1024x128xi1>, vector<1024x128xf32>
    %slice3A_195 = vector.extract_strided_slice %dot_general3A_12 {offsets = [0, 2176], sizes = [1024, 128], strides = [1, 1]} : vector<1024x8192xf32> to vector<1024x128xf32>
    %add3A_196 = vector.broadcast %broadcast_in_dim3A : vector<1024x1xf32> to vector<1024x128xf32>
    %add3A_197 = arith.addf %add3A_196, %slice3A_195 : vector<1024x128xf32>
    %slice3A_198 = vector.extract_strided_slice %get3A_15 {offsets = [0, 2176], sizes = [1, 128], strides = [1, 1]} : vector<1x8192xf32> to vector<1x128xf32>
    %add3A_199 = vector.broadcast %slice3A_198 : vector<1x128xf32> to vector<1024x128xf32>
    %add3A_200 = arith.addf %add3A_197, %add3A_199 : vector<1024x128xf32>
    %lt3A_201 = arith.cmpf olt, %add3A_200, %select_n3A_191 : vector<1024x128xf32>
    %select_n3A_202 = arith.select %lt3A_201, %add3A_200, %select_n3A_191 : vector<1024x128xi1>, vector<1024x128xf32>
    %jit3A_203 = arith.constant 1.700000e+01 : f32
    %broadcast_in_dim3A_204 = vector.broadcast %jit3A_203 : f32 to vector<1024x128xf32>
    %select_n3A_205 = arith.select %lt3A_201, %broadcast_in_dim3A_204, %select_n3A_194 : vector<1024x128xi1>, vector<1024x128xf32>
    %slice3A_206 = vector.extract_strided_slice %dot_general3A_12 {offsets = [0, 2304], sizes = [1024, 128], strides = [1, 1]} : vector<1024x8192xf32> to vector<1024x128xf32>
    %add3A_207 = vector.broadcast %broadcast_in_dim3A : vector<1024x1xf32> to vector<1024x128xf32>
    %add3A_208 = arith.addf %add3A_207, %slice3A_206 : vector<1024x128xf32>
    %slice3A_209 = vector.extract_strided_slice %get3A_15 {offsets = [0, 2304], sizes = [1, 128], strides = [1, 1]} : vector<1x8192xf32> to vector<1x128xf32>
    %add3A_210 = vector.broadcast %slice3A_209 : vector<1x128xf32> to vector<1024x128xf32>
    %add3A_211 = arith.addf %add3A_208, %add3A_210 : vector<1024x128xf32>
    %lt3A_212 = arith.cmpf olt, %add3A_211, %select_n3A_202 : vector<1024x128xf32>
    %select_n3A_213 = arith.select %lt3A_212, %add3A_211, %select_n3A_202 : vector<1024x128xi1>, vector<1024x128xf32>
    %jit3A_214 = arith.constant 1.800000e+01 : f32
    %broadcast_in_dim3A_215 = vector.broadcast %jit3A_214 : f32 to vector<1024x128xf32>
    %select_n3A_216 = arith.select %lt3A_212, %broadcast_in_dim3A_215, %select_n3A_205 : vector<1024x128xi1>, vector<1024x128xf32>
    %slice3A_217 = vector.extract_strided_slice %dot_general3A_12 {offsets = [0, 2432], sizes = [1024, 128], strides = [1, 1]} : vector<1024x8192xf32> to vector<1024x128xf32>
    %add3A_218 = vector.broadcast %broadcast_in_dim3A : vector<1024x1xf32> to vector<1024x128xf32>
    %add3A_219 = arith.addf %add3A_218, %slice3A_217 : vector<1024x128xf32>
    %slice3A_220 = vector.extract_strided_slice %get3A_15 {offsets = [0, 2432], sizes = [1, 128], strides = [1, 1]} : vector<1x8192xf32> to vector<1x128xf32>
    %add3A_221 = vector.broadcast %slice3A_220 : vector<1x128xf32> to vector<1024x128xf32>
    %add3A_222 = arith.addf %add3A_219, %add3A_221 : vector<1024x128xf32>
    %lt3A_223 = arith.cmpf olt, %add3A_222, %select_n3A_213 : vector<1024x128xf32>
    %select_n3A_224 = arith.select %lt3A_223, %add3A_222, %select_n3A_213 : vector<1024x128xi1>, vector<1024x128xf32>
    %jit3A_225 = arith.constant 1.900000e+01 : f32
    %broadcast_in_dim3A_226 = vector.broadcast %jit3A_225 : f32 to vector<1024x128xf32>
    %select_n3A_227 = arith.select %lt3A_223, %broadcast_in_dim3A_226, %select_n3A_216 : vector<1024x128xi1>, vector<1024x128xf32>
    %slice3A_228 = vector.extract_strided_slice %dot_general3A_12 {offsets = [0, 2560], sizes = [1024, 128], strides = [1, 1]} : vector<1024x8192xf32> to vector<1024x128xf32>
    %add3A_229 = vector.broadcast %broadcast_in_dim3A : vector<1024x1xf32> to vector<1024x128xf32>
    %add3A_230 = arith.addf %add3A_229, %slice3A_228 : vector<1024x128xf32>
    %slice3A_231 = vector.extract_strided_slice %get3A_15 {offsets = [0, 2560], sizes = [1, 128], strides = [1, 1]} : vector<1x8192xf32> to vector<1x128xf32>
    %add3A_232 = vector.broadcast %slice3A_231 : vector<1x128xf32> to vector<1024x128xf32>
    %add3A_233 = arith.addf %add3A_230, %add3A_232 : vector<1024x128xf32>
    %lt3A_234 = arith.cmpf olt, %add3A_233, %select_n3A_224 : vector<1024x128xf32>
    %select_n3A_235 = arith.select %lt3A_234, %add3A_233, %select_n3A_224 : vector<1024x128xi1>, vector<1024x128xf32>
    %jit3A_236 = arith.constant 2.000000e+01 : f32
    %broadcast_in_dim3A_237 = vector.broadcast %jit3A_236 : f32 to vector<1024x128xf32>
    %select_n3A_238 = arith.select %lt3A_234, %broadcast_in_dim3A_237, %select_n3A_227 : vector<1024x128xi1>, vector<1024x128xf32>
    %slice3A_239 = vector.extract_strided_slice %dot_general3A_12 {offsets = [0, 2688], sizes = [1024, 128], strides = [1, 1]} : vector<1024x8192xf32> to vector<1024x128xf32>
    %add3A_240 = vector.broadcast %broadcast_in_dim3A : vector<1024x1xf32> to vector<1024x128xf32>
    %add3A_241 = arith.addf %add3A_240, %slice3A_239 : vector<1024x128xf32>
    %slice3A_242 = vector.extract_strided_slice %get3A_15 {offsets = [0, 2688], sizes = [1, 128], strides = [1, 1]} : vector<1x8192xf32> to vector<1x128xf32>
    %add3A_243 = vector.broadcast %slice3A_242 : vector<1x128xf32> to vector<1024x128xf32>
    %add3A_244 = arith.addf %add3A_241, %add3A_243 : vector<1024x128xf32>
    %lt3A_245 = arith.cmpf olt, %add3A_244, %select_n3A_235 : vector<1024x128xf32>
    %select_n3A_246 = arith.select %lt3A_245, %add3A_244, %select_n3A_235 : vector<1024x128xi1>, vector<1024x128xf32>
    %jit3A_247 = arith.constant 2.100000e+01 : f32
    %broadcast_in_dim3A_248 = vector.broadcast %jit3A_247 : f32 to vector<1024x128xf32>
    %select_n3A_249 = arith.select %lt3A_245, %broadcast_in_dim3A_248, %select_n3A_238 : vector<1024x128xi1>, vector<1024x128xf32>
    %reduce_min3A = arith.constant dense<0x7F800000> : vector<1024xf32>
    %reduce_min3A_250 = vector.multi_reduction <minimumf>, %select_n3A_246, %reduce_min3A [1] : vector<1024x128xf32> to vector<1024xf32>
    %broadcast_in_dim3A_251 = vector.shape_cast %reduce_min3A_250 : vector<1024xf32> to vector<1024x1xf32>
    %iota3A = tpu.iota {dimensions = array<i32: 1>} : vector<1024x128xi32>
    %convert_element_type3A_252 = arith.sitofp %iota3A : vector<1024x128xi32> to vector<1024x128xf32>
    %mul3A_253 = arith.constant 1.280000e+02 : f32
    %mul3A_254 = vector.broadcast %mul3A_253 : f32 to vector<1024x128xf32>
    %mul3A_255 = arith.mulf %select_n3A_249, %mul3A_254 : vector<1024x128xf32>
    %add3A_256 = arith.addf %mul3A_255, %convert_element_type3A_252 : vector<1024x128xf32>
    %add3A_257 = arith.constant 0.000000e+00 : f32
    %add3A_258 = vector.broadcast %add3A_257 : f32 to vector<1024x128xf32>
    %add3A_259 = arith.addf %add3A_256, %add3A_258 : vector<1024x128xf32>
    %eq3A_260 = vector.broadcast %broadcast_in_dim3A_251 : vector<1024x1xf32> to vector<1024x128xf32>
    %eq3A_261 = arith.cmpf oeq, %select_n3A_246, %eq3A_260 : vector<1024x128xf32>
    %jit3A_262 = arith.constant 8.192000e+03 : f32
    %broadcast_in_dim3A_263 = vector.broadcast %jit3A_262 : f32 to vector<1024x128xf32>
    %select_n3A_264 = arith.select %eq3A_261, %add3A_259, %broadcast_in_dim3A_263 : vector<1024x128xi1>, vector<1024x128xf32>
    %reduce_min3A_265 = arith.constant dense<0x7F800000> : vector<1024xf32>
    %reduce_min3A_266 = vector.multi_reduction <minimumf>, %select_n3A_264, %reduce_min3A_265 [1] : vector<1024x128xf32> to vector<1024xf32>
    %broadcast_in_dim3A_267 = vector.shape_cast %reduce_min3A_266 : vector<1024xf32> to vector<1024x1xf32>
    %convert_element_type3A_268 = arith.truncf %broadcast_in_dim3A_251 : vector<1024x1xf32> to vector<1024x1xbf16>
    %slice3A_269 = vector.extract_strided_slice %dot_general3A_12 {offsets = [0, 2816], sizes = [1024, 128], strides = [1, 1]} : vector<1024x8192xf32> to vector<1024x128xf32>
    %add3A_270 = vector.broadcast %broadcast_in_dim3A : vector<1024x1xf32> to vector<1024x128xf32>
    %add3A_271 = arith.addf %add3A_270, %slice3A_269 : vector<1024x128xf32>
    %slice3A_272 = vector.extract_strided_slice %get3A_15 {offsets = [0, 2816], sizes = [1, 128], strides = [1, 1]} : vector<1x8192xf32> to vector<1x128xf32>
    %add3A_273 = vector.broadcast %slice3A_272 : vector<1x128xf32> to vector<1024x128xf32>
    %add3A_274 = arith.addf %add3A_271, %add3A_273 : vector<1024x128xf32>
    %broadcast_in_dim3A_275 = arith.constant 0.000000e+00 : f32
    %broadcast_in_dim3A_276 = vector.broadcast %broadcast_in_dim3A_275 : f32 to vector<1024x128xf32>
    %slice3A_277 = vector.extract_strided_slice %dot_general3A_12 {offsets = [0, 2944], sizes = [1024, 128], strides = [1, 1]} : vector<1024x8192xf32> to vector<1024x128xf32>
    %add3A_278 = vector.broadcast %broadcast_in_dim3A : vector<1024x1xf32> to vector<1024x128xf32>
    %add3A_279 = arith.addf %add3A_278, %slice3A_277 : vector<1024x128xf32>
    %slice3A_280 = vector.extract_strided_slice %get3A_15 {offsets = [0, 2944], sizes = [1, 128], strides = [1, 1]} : vector<1x8192xf32> to vector<1x128xf32>
    %add3A_281 = vector.broadcast %slice3A_280 : vector<1x128xf32> to vector<1024x128xf32>
    %add3A_282 = arith.addf %add3A_279, %add3A_281 : vector<1024x128xf32>
    %lt3A_283 = arith.cmpf olt, %add3A_282, %add3A_274 : vector<1024x128xf32>
    %select_n3A_284 = arith.select %lt3A_283, %add3A_282, %add3A_274 : vector<1024x128xi1>, vector<1024x128xf32>
    %jit3A_285 = arith.constant 1.000000e+00 : f32
    %broadcast_in_dim3A_286 = vector.broadcast %jit3A_285 : f32 to vector<1024x128xf32>
    %select_n3A_287 = arith.select %lt3A_283, %broadcast_in_dim3A_286, %broadcast_in_dim3A_276 : vector<1024x128xi1>, vector<1024x128xf32>
    %slice3A_288 = vector.extract_strided_slice %dot_general3A_12 {offsets = [0, 3072], sizes = [1024, 128], strides = [1, 1]} : vector<1024x8192xf32> to vector<1024x128xf32>
    %add3A_289 = vector.broadcast %broadcast_in_dim3A : vector<1024x1xf32> to vector<1024x128xf32>
    %add3A_290 = arith.addf %add3A_289, %slice3A_288 : vector<1024x128xf32>
    %slice3A_291 = vector.extract_strided_slice %get3A_15 {offsets = [0, 3072], sizes = [1, 128], strides = [1, 1]} : vector<1x8192xf32> to vector<1x128xf32>
    %add3A_292 = vector.broadcast %slice3A_291 : vector<1x128xf32> to vector<1024x128xf32>
    %add3A_293 = arith.addf %add3A_290, %add3A_292 : vector<1024x128xf32>
    %lt3A_294 = arith.cmpf olt, %add3A_293, %select_n3A_284 : vector<1024x128xf32>
    %select_n3A_295 = arith.select %lt3A_294, %add3A_293, %select_n3A_284 : vector<1024x128xi1>, vector<1024x128xf32>
    %jit3A_296 = arith.constant 2.000000e+00 : f32
    %broadcast_in_dim3A_297 = vector.broadcast %jit3A_296 : f32 to vector<1024x128xf32>
    %select_n3A_298 = arith.select %lt3A_294, %broadcast_in_dim3A_297, %select_n3A_287 : vector<1024x128xi1>, vector<1024x128xf32>
    %slice3A_299 = vector.extract_strided_slice %dot_general3A_12 {offsets = [0, 3200], sizes = [1024, 128], strides = [1, 1]} : vector<1024x8192xf32> to vector<1024x128xf32>
    %add3A_300 = vector.broadcast %broadcast_in_dim3A : vector<1024x1xf32> to vector<1024x128xf32>
    %add3A_301 = arith.addf %add3A_300, %slice3A_299 : vector<1024x128xf32>
    %slice3A_302 = vector.extract_strided_slice %get3A_15 {offsets = [0, 3200], sizes = [1, 128], strides = [1, 1]} : vector<1x8192xf32> to vector<1x128xf32>
    %add3A_303 = vector.broadcast %slice3A_302 : vector<1x128xf32> to vector<1024x128xf32>
    %add3A_304 = arith.addf %add3A_301, %add3A_303 : vector<1024x128xf32>
    %lt3A_305 = arith.cmpf olt, %add3A_304, %select_n3A_295 : vector<1024x128xf32>
    %select_n3A_306 = arith.select %lt3A_305, %add3A_304, %select_n3A_295 : vector<1024x128xi1>, vector<1024x128xf32>
    %jit3A_307 = arith.constant 3.000000e+00 : f32
    %broadcast_in_dim3A_308 = vector.broadcast %jit3A_307 : f32 to vector<1024x128xf32>
    %select_n3A_309 = arith.select %lt3A_305, %broadcast_in_dim3A_308, %select_n3A_298 : vector<1024x128xi1>, vector<1024x128xf32>
    %slice3A_310 = vector.extract_strided_slice %dot_general3A_12 {offsets = [0, 3328], sizes = [1024, 128], strides = [1, 1]} : vector<1024x8192xf32> to vector<1024x128xf32>
    %add3A_311 = vector.broadcast %broadcast_in_dim3A : vector<1024x1xf32> to vector<1024x128xf32>
    %add3A_312 = arith.addf %add3A_311, %slice3A_310 : vector<1024x128xf32>
    %slice3A_313 = vector.extract_strided_slice %get3A_15 {offsets = [0, 3328], sizes = [1, 128], strides = [1, 1]} : vector<1x8192xf32> to vector<1x128xf32>
    %add3A_314 = vector.broadcast %slice3A_313 : vector<1x128xf32> to vector<1024x128xf32>
    %add3A_315 = arith.addf %add3A_312, %add3A_314 : vector<1024x128xf32>
    %lt3A_316 = arith.cmpf olt, %add3A_315, %select_n3A_306 : vector<1024x128xf32>
    %select_n3A_317 = arith.select %lt3A_316, %add3A_315, %select_n3A_306 : vector<1024x128xi1>, vector<1024x128xf32>
    %jit3A_318 = arith.constant 4.000000e+00 : f32
    %broadcast_in_dim3A_319 = vector.broadcast %jit3A_318 : f32 to vector<1024x128xf32>
    %select_n3A_320 = arith.select %lt3A_316, %broadcast_in_dim3A_319, %select_n3A_309 : vector<1024x128xi1>, vector<1024x128xf32>
    %slice3A_321 = vector.extract_strided_slice %dot_general3A_12 {offsets = [0, 3456], sizes = [1024, 128], strides = [1, 1]} : vector<1024x8192xf32> to vector<1024x128xf32>
    %add3A_322 = vector.broadcast %broadcast_in_dim3A : vector<1024x1xf32> to vector<1024x128xf32>
    %add3A_323 = arith.addf %add3A_322, %slice3A_321 : vector<1024x128xf32>
    %slice3A_324 = vector.extract_strided_slice %get3A_15 {offsets = [0, 3456], sizes = [1, 128], strides = [1, 1]} : vector<1x8192xf32> to vector<1x128xf32>
    %add3A_325 = vector.broadcast %slice3A_324 : vector<1x128xf32> to vector<1024x128xf32>
    %add3A_326 = arith.addf %add3A_323, %add3A_325 : vector<1024x128xf32>
    %lt3A_327 = arith.cmpf olt, %add3A_326, %select_n3A_317 : vector<1024x128xf32>
    %select_n3A_328 = arith.select %lt3A_327, %add3A_326, %select_n3A_317 : vector<1024x128xi1>, vector<1024x128xf32>
    %jit3A_329 = arith.constant 5.000000e+00 : f32
    %broadcast_in_dim3A_330 = vector.broadcast %jit3A_329 : f32 to vector<1024x128xf32>
    %select_n3A_331 = arith.select %lt3A_327, %broadcast_in_dim3A_330, %select_n3A_320 : vector<1024x128xi1>, vector<1024x128xf32>
    %slice3A_332 = vector.extract_strided_slice %dot_general3A_12 {offsets = [0, 3584], sizes = [1024, 128], strides = [1, 1]} : vector<1024x8192xf32> to vector<1024x128xf32>
    %add3A_333 = vector.broadcast %broadcast_in_dim3A : vector<1024x1xf32> to vector<1024x128xf32>
    %add3A_334 = arith.addf %add3A_333, %slice3A_332 : vector<1024x128xf32>
    %slice3A_335 = vector.extract_strided_slice %get3A_15 {offsets = [0, 3584], sizes = [1, 128], strides = [1, 1]} : vector<1x8192xf32> to vector<1x128xf32>
    %add3A_336 = vector.broadcast %slice3A_335 : vector<1x128xf32> to vector<1024x128xf32>
    %add3A_337 = arith.addf %add3A_334, %add3A_336 : vector<1024x128xf32>
    %lt3A_338 = arith.cmpf olt, %add3A_337, %select_n3A_328 : vector<1024x128xf32>
    %select_n3A_339 = arith.select %lt3A_338, %add3A_337, %select_n3A_328 : vector<1024x128xi1>, vector<1024x128xf32>
    %jit3A_340 = arith.constant 6.000000e+00 : f32
    %broadcast_in_dim3A_341 = vector.broadcast %jit3A_340 : f32 to vector<1024x128xf32>
    %select_n3A_342 = arith.select %lt3A_338, %broadcast_in_dim3A_341, %select_n3A_331 : vector<1024x128xi1>, vector<1024x128xf32>
    %slice3A_343 = vector.extract_strided_slice %dot_general3A_12 {offsets = [0, 3712], sizes = [1024, 128], strides = [1, 1]} : vector<1024x8192xf32> to vector<1024x128xf32>
    %add3A_344 = vector.broadcast %broadcast_in_dim3A : vector<1024x1xf32> to vector<1024x128xf32>
    %add3A_345 = arith.addf %add3A_344, %slice3A_343 : vector<1024x128xf32>
    %slice3A_346 = vector.extract_strided_slice %get3A_15 {offsets = [0, 3712], sizes = [1, 128], strides = [1, 1]} : vector<1x8192xf32> to vector<1x128xf32>
    %add3A_347 = vector.broadcast %slice3A_346 : vector<1x128xf32> to vector<1024x128xf32>
    %add3A_348 = arith.addf %add3A_345, %add3A_347 : vector<1024x128xf32>
    %lt3A_349 = arith.cmpf olt, %add3A_348, %select_n3A_339 : vector<1024x128xf32>
    %select_n3A_350 = arith.select %lt3A_349, %add3A_348, %select_n3A_339 : vector<1024x128xi1>, vector<1024x128xf32>
    %jit3A_351 = arith.constant 7.000000e+00 : f32
    %broadcast_in_dim3A_352 = vector.broadcast %jit3A_351 : f32 to vector<1024x128xf32>
    %select_n3A_353 = arith.select %lt3A_349, %broadcast_in_dim3A_352, %select_n3A_342 : vector<1024x128xi1>, vector<1024x128xf32>
    %slice3A_354 = vector.extract_strided_slice %dot_general3A_12 {offsets = [0, 3840], sizes = [1024, 128], strides = [1, 1]} : vector<1024x8192xf32> to vector<1024x128xf32>
    %add3A_355 = vector.broadcast %broadcast_in_dim3A : vector<1024x1xf32> to vector<1024x128xf32>
    %add3A_356 = arith.addf %add3A_355, %slice3A_354 : vector<1024x128xf32>
    %slice3A_357 = vector.extract_strided_slice %get3A_15 {offsets = [0, 3840], sizes = [1, 128], strides = [1, 1]} : vector<1x8192xf32> to vector<1x128xf32>
    %add3A_358 = vector.broadcast %slice3A_357 : vector<1x128xf32> to vector<1024x128xf32>
    %add3A_359 = arith.addf %add3A_356, %add3A_358 : vector<1024x128xf32>
    %lt3A_360 = arith.cmpf olt, %add3A_359, %select_n3A_350 : vector<1024x128xf32>
    %select_n3A_361 = arith.select %lt3A_360, %add3A_359, %select_n3A_350 : vector<1024x128xi1>, vector<1024x128xf32>
    %jit3A_362 = arith.constant 8.000000e+00 : f32
    %broadcast_in_dim3A_363 = vector.broadcast %jit3A_362 : f32 to vector<1024x128xf32>
    %select_n3A_364 = arith.select %lt3A_360, %broadcast_in_dim3A_363, %select_n3A_353 : vector<1024x128xi1>, vector<1024x128xf32>
    %slice3A_365 = vector.extract_strided_slice %dot_general3A_12 {offsets = [0, 3968], sizes = [1024, 128], strides = [1, 1]} : vector<1024x8192xf32> to vector<1024x128xf32>
    %add3A_366 = vector.broadcast %broadcast_in_dim3A : vector<1024x1xf32> to vector<1024x128xf32>
    %add3A_367 = arith.addf %add3A_366, %slice3A_365 : vector<1024x128xf32>
    %slice3A_368 = vector.extract_strided_slice %get3A_15 {offsets = [0, 3968], sizes = [1, 128], strides = [1, 1]} : vector<1x8192xf32> to vector<1x128xf32>
    %add3A_369 = vector.broadcast %slice3A_368 : vector<1x128xf32> to vector<1024x128xf32>
    %add3A_370 = arith.addf %add3A_367, %add3A_369 : vector<1024x128xf32>
    %lt3A_371 = arith.cmpf olt, %add3A_370, %select_n3A_361 : vector<1024x128xf32>
    %select_n3A_372 = arith.select %lt3A_371, %add3A_370, %select_n3A_361 : vector<1024x128xi1>, vector<1024x128xf32>
    %jit3A_373 = arith.constant 9.000000e+00 : f32
    %broadcast_in_dim3A_374 = vector.broadcast %jit3A_373 : f32 to vector<1024x128xf32>
    %select_n3A_375 = arith.select %lt3A_371, %broadcast_in_dim3A_374, %select_n3A_364 : vector<1024x128xi1>, vector<1024x128xf32>
    %slice3A_376 = vector.extract_strided_slice %dot_general3A_12 {offsets = [0, 4096], sizes = [1024, 128], strides = [1, 1]} : vector<1024x8192xf32> to vector<1024x128xf32>
    %add3A_377 = vector.broadcast %broadcast_in_dim3A : vector<1024x1xf32> to vector<1024x128xf32>
    %add3A_378 = arith.addf %add3A_377, %slice3A_376 : vector<1024x128xf32>
    %slice3A_379 = vector.extract_strided_slice %get3A_15 {offsets = [0, 4096], sizes = [1, 128], strides = [1, 1]} : vector<1x8192xf32> to vector<1x128xf32>
    %add3A_380 = vector.broadcast %slice3A_379 : vector<1x128xf32> to vector<1024x128xf32>
    %add3A_381 = arith.addf %add3A_378, %add3A_380 : vector<1024x128xf32>
    %lt3A_382 = arith.cmpf olt, %add3A_381, %select_n3A_372 : vector<1024x128xf32>
    %select_n3A_383 = arith.select %lt3A_382, %add3A_381, %select_n3A_372 : vector<1024x128xi1>, vector<1024x128xf32>
    %jit3A_384 = arith.constant 1.000000e+01 : f32
    %broadcast_in_dim3A_385 = vector.broadcast %jit3A_384 : f32 to vector<1024x128xf32>
    %select_n3A_386 = arith.select %lt3A_382, %broadcast_in_dim3A_385, %select_n3A_375 : vector<1024x128xi1>, vector<1024x128xf32>
    %slice3A_387 = vector.extract_strided_slice %dot_general3A_12 {offsets = [0, 4224], sizes = [1024, 128], strides = [1, 1]} : vector<1024x8192xf32> to vector<1024x128xf32>
    %add3A_388 = vector.broadcast %broadcast_in_dim3A : vector<1024x1xf32> to vector<1024x128xf32>
    %add3A_389 = arith.addf %add3A_388, %slice3A_387 : vector<1024x128xf32>
    %slice3A_390 = vector.extract_strided_slice %get3A_15 {offsets = [0, 4224], sizes = [1, 128], strides = [1, 1]} : vector<1x8192xf32> to vector<1x128xf32>
    %add3A_391 = vector.broadcast %slice3A_390 : vector<1x128xf32> to vector<1024x128xf32>
    %add3A_392 = arith.addf %add3A_389, %add3A_391 : vector<1024x128xf32>
    %lt3A_393 = arith.cmpf olt, %add3A_392, %select_n3A_383 : vector<1024x128xf32>
    %select_n3A_394 = arith.select %lt3A_393, %add3A_392, %select_n3A_383 : vector<1024x128xi1>, vector<1024x128xf32>
    %jit3A_395 = arith.constant 1.100000e+01 : f32
    %broadcast_in_dim3A_396 = vector.broadcast %jit3A_395 : f32 to vector<1024x128xf32>
    %select_n3A_397 = arith.select %lt3A_393, %broadcast_in_dim3A_396, %select_n3A_386 : vector<1024x128xi1>, vector<1024x128xf32>
    %slice3A_398 = vector.extract_strided_slice %dot_general3A_12 {offsets = [0, 4352], sizes = [1024, 128], strides = [1, 1]} : vector<1024x8192xf32> to vector<1024x128xf32>
    %add3A_399 = vector.broadcast %broadcast_in_dim3A : vector<1024x1xf32> to vector<1024x128xf32>
    %add3A_400 = arith.addf %add3A_399, %slice3A_398 : vector<1024x128xf32>
    %slice3A_401 = vector.extract_strided_slice %get3A_15 {offsets = [0, 4352], sizes = [1, 128], strides = [1, 1]} : vector<1x8192xf32> to vector<1x128xf32>
    %add3A_402 = vector.broadcast %slice3A_401 : vector<1x128xf32> to vector<1024x128xf32>
    %add3A_403 = arith.addf %add3A_400, %add3A_402 : vector<1024x128xf32>
    %lt3A_404 = arith.cmpf olt, %add3A_403, %select_n3A_394 : vector<1024x128xf32>
    %select_n3A_405 = arith.select %lt3A_404, %add3A_403, %select_n3A_394 : vector<1024x128xi1>, vector<1024x128xf32>
    %jit3A_406 = arith.constant 1.200000e+01 : f32
    %broadcast_in_dim3A_407 = vector.broadcast %jit3A_406 : f32 to vector<1024x128xf32>
    %select_n3A_408 = arith.select %lt3A_404, %broadcast_in_dim3A_407, %select_n3A_397 : vector<1024x128xi1>, vector<1024x128xf32>
    %slice3A_409 = vector.extract_strided_slice %dot_general3A_12 {offsets = [0, 4480], sizes = [1024, 128], strides = [1, 1]} : vector<1024x8192xf32> to vector<1024x128xf32>
    %add3A_410 = vector.broadcast %broadcast_in_dim3A : vector<1024x1xf32> to vector<1024x128xf32>
    %add3A_411 = arith.addf %add3A_410, %slice3A_409 : vector<1024x128xf32>
    %slice3A_412 = vector.extract_strided_slice %get3A_15 {offsets = [0, 4480], sizes = [1, 128], strides = [1, 1]} : vector<1x8192xf32> to vector<1x128xf32>
    %add3A_413 = vector.broadcast %slice3A_412 : vector<1x128xf32> to vector<1024x128xf32>
    %add3A_414 = arith.addf %add3A_411, %add3A_413 : vector<1024x128xf32>
    %lt3A_415 = arith.cmpf olt, %add3A_414, %select_n3A_405 : vector<1024x128xf32>
    %select_n3A_416 = arith.select %lt3A_415, %add3A_414, %select_n3A_405 : vector<1024x128xi1>, vector<1024x128xf32>
    %jit3A_417 = arith.constant 1.300000e+01 : f32
    %broadcast_in_dim3A_418 = vector.broadcast %jit3A_417 : f32 to vector<1024x128xf32>
    %select_n3A_419 = arith.select %lt3A_415, %broadcast_in_dim3A_418, %select_n3A_408 : vector<1024x128xi1>, vector<1024x128xf32>
    %slice3A_420 = vector.extract_strided_slice %dot_general3A_12 {offsets = [0, 4608], sizes = [1024, 128], strides = [1, 1]} : vector<1024x8192xf32> to vector<1024x128xf32>
    %add3A_421 = vector.broadcast %broadcast_in_dim3A : vector<1024x1xf32> to vector<1024x128xf32>
    %add3A_422 = arith.addf %add3A_421, %slice3A_420 : vector<1024x128xf32>
    %slice3A_423 = vector.extract_strided_slice %get3A_15 {offsets = [0, 4608], sizes = [1, 128], strides = [1, 1]} : vector<1x8192xf32> to vector<1x128xf32>
    %add3A_424 = vector.broadcast %slice3A_423 : vector<1x128xf32> to vector<1024x128xf32>
    %add3A_425 = arith.addf %add3A_422, %add3A_424 : vector<1024x128xf32>
    %lt3A_426 = arith.cmpf olt, %add3A_425, %select_n3A_416 : vector<1024x128xf32>
    %select_n3A_427 = arith.select %lt3A_426, %add3A_425, %select_n3A_416 : vector<1024x128xi1>, vector<1024x128xf32>
    %jit3A_428 = arith.constant 1.400000e+01 : f32
    %broadcast_in_dim3A_429 = vector.broadcast %jit3A_428 : f32 to vector<1024x128xf32>
    %select_n3A_430 = arith.select %lt3A_426, %broadcast_in_dim3A_429, %select_n3A_419 : vector<1024x128xi1>, vector<1024x128xf32>
    %slice3A_431 = vector.extract_strided_slice %dot_general3A_12 {offsets = [0, 4736], sizes = [1024, 128], strides = [1, 1]} : vector<1024x8192xf32> to vector<1024x128xf32>
    %add3A_432 = vector.broadcast %broadcast_in_dim3A : vector<1024x1xf32> to vector<1024x128xf32>
    %add3A_433 = arith.addf %add3A_432, %slice3A_431 : vector<1024x128xf32>
    %slice3A_434 = vector.extract_strided_slice %get3A_15 {offsets = [0, 4736], sizes = [1, 128], strides = [1, 1]} : vector<1x8192xf32> to vector<1x128xf32>
    %add3A_435 = vector.broadcast %slice3A_434 : vector<1x128xf32> to vector<1024x128xf32>
    %add3A_436 = arith.addf %add3A_433, %add3A_435 : vector<1024x128xf32>
    %lt3A_437 = arith.cmpf olt, %add3A_436, %select_n3A_427 : vector<1024x128xf32>
    %select_n3A_438 = arith.select %lt3A_437, %add3A_436, %select_n3A_427 : vector<1024x128xi1>, vector<1024x128xf32>
    %jit3A_439 = arith.constant 1.500000e+01 : f32
    %broadcast_in_dim3A_440 = vector.broadcast %jit3A_439 : f32 to vector<1024x128xf32>
    %select_n3A_441 = arith.select %lt3A_437, %broadcast_in_dim3A_440, %select_n3A_430 : vector<1024x128xi1>, vector<1024x128xf32>
    %slice3A_442 = vector.extract_strided_slice %dot_general3A_12 {offsets = [0, 4864], sizes = [1024, 128], strides = [1, 1]} : vector<1024x8192xf32> to vector<1024x128xf32>
    %add3A_443 = vector.broadcast %broadcast_in_dim3A : vector<1024x1xf32> to vector<1024x128xf32>
    %add3A_444 = arith.addf %add3A_443, %slice3A_442 : vector<1024x128xf32>
    %slice3A_445 = vector.extract_strided_slice %get3A_15 {offsets = [0, 4864], sizes = [1, 128], strides = [1, 1]} : vector<1x8192xf32> to vector<1x128xf32>
    %add3A_446 = vector.broadcast %slice3A_445 : vector<1x128xf32> to vector<1024x128xf32>
    %add3A_447 = arith.addf %add3A_444, %add3A_446 : vector<1024x128xf32>
    %lt3A_448 = arith.cmpf olt, %add3A_447, %select_n3A_438 : vector<1024x128xf32>
    %select_n3A_449 = arith.select %lt3A_448, %add3A_447, %select_n3A_438 : vector<1024x128xi1>, vector<1024x128xf32>
    %jit3A_450 = arith.constant 1.600000e+01 : f32
    %broadcast_in_dim3A_451 = vector.broadcast %jit3A_450 : f32 to vector<1024x128xf32>
    %select_n3A_452 = arith.select %lt3A_448, %broadcast_in_dim3A_451, %select_n3A_441 : vector<1024x128xi1>, vector<1024x128xf32>
    %slice3A_453 = vector.extract_strided_slice %dot_general3A_12 {offsets = [0, 4992], sizes = [1024, 128], strides = [1, 1]} : vector<1024x8192xf32> to vector<1024x128xf32>
    %add3A_454 = vector.broadcast %broadcast_in_dim3A : vector<1024x1xf32> to vector<1024x128xf32>
    %add3A_455 = arith.addf %add3A_454, %slice3A_453 : vector<1024x128xf32>
    %slice3A_456 = vector.extract_strided_slice %get3A_15 {offsets = [0, 4992], sizes = [1, 128], strides = [1, 1]} : vector<1x8192xf32> to vector<1x128xf32>
    %add3A_457 = vector.broadcast %slice3A_456 : vector<1x128xf32> to vector<1024x128xf32>
    %add3A_458 = arith.addf %add3A_455, %add3A_457 : vector<1024x128xf32>
    %lt3A_459 = arith.cmpf olt, %add3A_458, %select_n3A_449 : vector<1024x128xf32>
    %select_n3A_460 = arith.select %lt3A_459, %add3A_458, %select_n3A_449 : vector<1024x128xi1>, vector<1024x128xf32>
    %jit3A_461 = arith.constant 1.700000e+01 : f32
    %broadcast_in_dim3A_462 = vector.broadcast %jit3A_461 : f32 to vector<1024x128xf32>
    %select_n3A_463 = arith.select %lt3A_459, %broadcast_in_dim3A_462, %select_n3A_452 : vector<1024x128xi1>, vector<1024x128xf32>
    %slice3A_464 = vector.extract_strided_slice %dot_general3A_12 {offsets = [0, 5120], sizes = [1024, 128], strides = [1, 1]} : vector<1024x8192xf32> to vector<1024x128xf32>
    %add3A_465 = vector.broadcast %broadcast_in_dim3A : vector<1024x1xf32> to vector<1024x128xf32>
    %add3A_466 = arith.addf %add3A_465, %slice3A_464 : vector<1024x128xf32>
    %slice3A_467 = vector.extract_strided_slice %get3A_15 {offsets = [0, 5120], sizes = [1, 128], strides = [1, 1]} : vector<1x8192xf32> to vector<1x128xf32>
    %add3A_468 = vector.broadcast %slice3A_467 : vector<1x128xf32> to vector<1024x128xf32>
    %add3A_469 = arith.addf %add3A_466, %add3A_468 : vector<1024x128xf32>
    %lt3A_470 = arith.cmpf olt, %add3A_469, %select_n3A_460 : vector<1024x128xf32>
    %select_n3A_471 = arith.select %lt3A_470, %add3A_469, %select_n3A_460 : vector<1024x128xi1>, vector<1024x128xf32>
    %jit3A_472 = arith.constant 1.800000e+01 : f32
    %broadcast_in_dim3A_473 = vector.broadcast %jit3A_472 : f32 to vector<1024x128xf32>
    %select_n3A_474 = arith.select %lt3A_470, %broadcast_in_dim3A_473, %select_n3A_463 : vector<1024x128xi1>, vector<1024x128xf32>
    %slice3A_475 = vector.extract_strided_slice %dot_general3A_12 {offsets = [0, 5248], sizes = [1024, 128], strides = [1, 1]} : vector<1024x8192xf32> to vector<1024x128xf32>
    %add3A_476 = vector.broadcast %broadcast_in_dim3A : vector<1024x1xf32> to vector<1024x128xf32>
    %add3A_477 = arith.addf %add3A_476, %slice3A_475 : vector<1024x128xf32>
    %slice3A_478 = vector.extract_strided_slice %get3A_15 {offsets = [0, 5248], sizes = [1, 128], strides = [1, 1]} : vector<1x8192xf32> to vector<1x128xf32>
    %add3A_479 = vector.broadcast %slice3A_478 : vector<1x128xf32> to vector<1024x128xf32>
    %add3A_480 = arith.addf %add3A_477, %add3A_479 : vector<1024x128xf32>
    %lt3A_481 = arith.cmpf olt, %add3A_480, %select_n3A_471 : vector<1024x128xf32>
    %select_n3A_482 = arith.select %lt3A_481, %add3A_480, %select_n3A_471 : vector<1024x128xi1>, vector<1024x128xf32>
    %jit3A_483 = arith.constant 1.900000e+01 : f32
    %broadcast_in_dim3A_484 = vector.broadcast %jit3A_483 : f32 to vector<1024x128xf32>
    %select_n3A_485 = arith.select %lt3A_481, %broadcast_in_dim3A_484, %select_n3A_474 : vector<1024x128xi1>, vector<1024x128xf32>
    %slice3A_486 = vector.extract_strided_slice %dot_general3A_12 {offsets = [0, 5376], sizes = [1024, 128], strides = [1, 1]} : vector<1024x8192xf32> to vector<1024x128xf32>
    %add3A_487 = vector.broadcast %broadcast_in_dim3A : vector<1024x1xf32> to vector<1024x128xf32>
    %add3A_488 = arith.addf %add3A_487, %slice3A_486 : vector<1024x128xf32>
    %slice3A_489 = vector.extract_strided_slice %get3A_15 {offsets = [0, 5376], sizes = [1, 128], strides = [1, 1]} : vector<1x8192xf32> to vector<1x128xf32>
    %add3A_490 = vector.broadcast %slice3A_489 : vector<1x128xf32> to vector<1024x128xf32>
    %add3A_491 = arith.addf %add3A_488, %add3A_490 : vector<1024x128xf32>
    %lt3A_492 = arith.cmpf olt, %add3A_491, %select_n3A_482 : vector<1024x128xf32>
    %select_n3A_493 = arith.select %lt3A_492, %add3A_491, %select_n3A_482 : vector<1024x128xi1>, vector<1024x128xf32>
    %jit3A_494 = arith.constant 2.000000e+01 : f32
    %broadcast_in_dim3A_495 = vector.broadcast %jit3A_494 : f32 to vector<1024x128xf32>
    %select_n3A_496 = arith.select %lt3A_492, %broadcast_in_dim3A_495, %select_n3A_485 : vector<1024x128xi1>, vector<1024x128xf32>
    %slice3A_497 = vector.extract_strided_slice %dot_general3A_12 {offsets = [0, 5504], sizes = [1024, 128], strides = [1, 1]} : vector<1024x8192xf32> to vector<1024x128xf32>
    %add3A_498 = vector.broadcast %broadcast_in_dim3A : vector<1024x1xf32> to vector<1024x128xf32>
    %add3A_499 = arith.addf %add3A_498, %slice3A_497 : vector<1024x128xf32>
    %slice3A_500 = vector.extract_strided_slice %get3A_15 {offsets = [0, 5504], sizes = [1, 128], strides = [1, 1]} : vector<1x8192xf32> to vector<1x128xf32>
    %add3A_501 = vector.broadcast %slice3A_500 : vector<1x128xf32> to vector<1024x128xf32>
    %add3A_502 = arith.addf %add3A_499, %add3A_501 : vector<1024x128xf32>
    %lt3A_503 = arith.cmpf olt, %add3A_502, %select_n3A_493 : vector<1024x128xf32>
    %select_n3A_504 = arith.select %lt3A_503, %add3A_502, %select_n3A_493 : vector<1024x128xi1>, vector<1024x128xf32>
    %jit3A_505 = arith.constant 2.100000e+01 : f32
    %broadcast_in_dim3A_506 = vector.broadcast %jit3A_505 : f32 to vector<1024x128xf32>
    %select_n3A_507 = arith.select %lt3A_503, %broadcast_in_dim3A_506, %select_n3A_496 : vector<1024x128xi1>, vector<1024x128xf32>
    %reduce_min3A_508 = arith.constant dense<0x7F800000> : vector<1024xf32>
    %reduce_min3A_509 = vector.multi_reduction <minimumf>, %select_n3A_504, %reduce_min3A_508 [1] : vector<1024x128xf32> to vector<1024xf32>
    %broadcast_in_dim3A_510 = vector.shape_cast %reduce_min3A_509 : vector<1024xf32> to vector<1024x1xf32>
    %iota3A_511 = tpu.iota {dimensions = array<i32: 1>} : vector<1024x128xi32>
    %convert_element_type3A_512 = arith.sitofp %iota3A_511 : vector<1024x128xi32> to vector<1024x128xf32>
    %mul3A_513 = arith.constant 1.280000e+02 : f32
    %mul3A_514 = vector.broadcast %mul3A_513 : f32 to vector<1024x128xf32>
    %mul3A_515 = arith.mulf %select_n3A_507, %mul3A_514 : vector<1024x128xf32>
    %add3A_516 = arith.addf %mul3A_515, %convert_element_type3A_512 : vector<1024x128xf32>
    %add3A_517 = arith.constant 2.816000e+03 : f32
    %add3A_518 = vector.broadcast %add3A_517 : f32 to vector<1024x128xf32>
    %add3A_519 = arith.addf %add3A_516, %add3A_518 : vector<1024x128xf32>
    %eq3A_520 = vector.broadcast %broadcast_in_dim3A_510 : vector<1024x1xf32> to vector<1024x128xf32>
    %eq3A_521 = arith.cmpf oeq, %select_n3A_504, %eq3A_520 : vector<1024x128xf32>
    %jit3A_522 = arith.constant 8.192000e+03 : f32
    %broadcast_in_dim3A_523 = vector.broadcast %jit3A_522 : f32 to vector<1024x128xf32>
    %select_n3A_524 = arith.select %eq3A_521, %add3A_519, %broadcast_in_dim3A_523 : vector<1024x128xi1>, vector<1024x128xf32>
    %reduce_min3A_525 = arith.constant dense<0x7F800000> : vector<1024xf32>
    %reduce_min3A_526 = vector.multi_reduction <minimumf>, %select_n3A_524, %reduce_min3A_525 [1] : vector<1024x128xf32> to vector<1024xf32>
    %broadcast_in_dim3A_527 = vector.shape_cast %reduce_min3A_526 : vector<1024xf32> to vector<1024x1xf32>
    %convert_element_type3A_528 = arith.extf %convert_element_type3A_268 : vector<1024x1xbf16> to vector<1024x1xf32>
    %lt3A_529 = arith.cmpf olt, %broadcast_in_dim3A_510, %convert_element_type3A_528 : vector<1024x1xf32>
    %select_n3A_530 = arith.select %lt3A_529, %broadcast_in_dim3A_527, %broadcast_in_dim3A_267 : vector<1024x1xi1>, vector<1024x1xf32>
    %select_n3A_531 = arith.select %lt3A_529, %broadcast_in_dim3A_510, %broadcast_in_dim3A_251 : vector<1024x1xi1>, vector<1024x1xf32>
    %select_n3A_532 = arith.select %lt3A_529, %broadcast_in_dim3A_510, %convert_element_type3A_528 : vector<1024x1xi1>, vector<1024x1xf32>
    %convert_element_type3A_533 = arith.truncf %select_n3A_532 : vector<1024x1xf32> to vector<1024x1xbf16>
    %slice3A_534 = vector.extract_strided_slice %dot_general3A_12 {offsets = [0, 5632], sizes = [1024, 128], strides = [1, 1]} : vector<1024x8192xf32> to vector<1024x128xf32>
    %add3A_535 = vector.broadcast %broadcast_in_dim3A : vector<1024x1xf32> to vector<1024x128xf32>
    %add3A_536 = arith.addf %add3A_535, %slice3A_534 : vector<1024x128xf32>
    %slice3A_537 = vector.extract_strided_slice %get3A_15 {offsets = [0, 5632], sizes = [1, 128], strides = [1, 1]} : vector<1x8192xf32> to vector<1x128xf32>
    %add3A_538 = vector.broadcast %slice3A_537 : vector<1x128xf32> to vector<1024x128xf32>
    %add3A_539 = arith.addf %add3A_536, %add3A_538 : vector<1024x128xf32>
    %broadcast_in_dim3A_540 = arith.constant 0.000000e+00 : f32
    %broadcast_in_dim3A_541 = vector.broadcast %broadcast_in_dim3A_540 : f32 to vector<1024x128xf32>
    %slice3A_542 = vector.extract_strided_slice %dot_general3A_12 {offsets = [0, 5760], sizes = [1024, 128], strides = [1, 1]} : vector<1024x8192xf32> to vector<1024x128xf32>
    %add3A_543 = vector.broadcast %broadcast_in_dim3A : vector<1024x1xf32> to vector<1024x128xf32>
    %add3A_544 = arith.addf %add3A_543, %slice3A_542 : vector<1024x128xf32>
    %slice3A_545 = vector.extract_strided_slice %get3A_15 {offsets = [0, 5760], sizes = [1, 128], strides = [1, 1]} : vector<1x8192xf32> to vector<1x128xf32>
    %add3A_546 = vector.broadcast %slice3A_545 : vector<1x128xf32> to vector<1024x128xf32>
    %add3A_547 = arith.addf %add3A_544, %add3A_546 : vector<1024x128xf32>
    %lt3A_548 = arith.cmpf olt, %add3A_547, %add3A_539 : vector<1024x128xf32>
    %select_n3A_549 = arith.select %lt3A_548, %add3A_547, %add3A_539 : vector<1024x128xi1>, vector<1024x128xf32>
    %jit3A_550 = arith.constant 1.000000e+00 : f32
    %broadcast_in_dim3A_551 = vector.broadcast %jit3A_550 : f32 to vector<1024x128xf32>
    %select_n3A_552 = arith.select %lt3A_548, %broadcast_in_dim3A_551, %broadcast_in_dim3A_541 : vector<1024x128xi1>, vector<1024x128xf32>
    %slice3A_553 = vector.extract_strided_slice %dot_general3A_12 {offsets = [0, 5888], sizes = [1024, 128], strides = [1, 1]} : vector<1024x8192xf32> to vector<1024x128xf32>
    %add3A_554 = vector.broadcast %broadcast_in_dim3A : vector<1024x1xf32> to vector<1024x128xf32>
    %add3A_555 = arith.addf %add3A_554, %slice3A_553 : vector<1024x128xf32>
    %slice3A_556 = vector.extract_strided_slice %get3A_15 {offsets = [0, 5888], sizes = [1, 128], strides = [1, 1]} : vector<1x8192xf32> to vector<1x128xf32>
    %add3A_557 = vector.broadcast %slice3A_556 : vector<1x128xf32> to vector<1024x128xf32>
    %add3A_558 = arith.addf %add3A_555, %add3A_557 : vector<1024x128xf32>
    %lt3A_559 = arith.cmpf olt, %add3A_558, %select_n3A_549 : vector<1024x128xf32>
    %select_n3A_560 = arith.select %lt3A_559, %add3A_558, %select_n3A_549 : vector<1024x128xi1>, vector<1024x128xf32>
    %jit3A_561 = arith.constant 2.000000e+00 : f32
    %broadcast_in_dim3A_562 = vector.broadcast %jit3A_561 : f32 to vector<1024x128xf32>
    %select_n3A_563 = arith.select %lt3A_559, %broadcast_in_dim3A_562, %select_n3A_552 : vector<1024x128xi1>, vector<1024x128xf32>
    %slice3A_564 = vector.extract_strided_slice %dot_general3A_12 {offsets = [0, 6016], sizes = [1024, 128], strides = [1, 1]} : vector<1024x8192xf32> to vector<1024x128xf32>
    %add3A_565 = vector.broadcast %broadcast_in_dim3A : vector<1024x1xf32> to vector<1024x128xf32>
    %add3A_566 = arith.addf %add3A_565, %slice3A_564 : vector<1024x128xf32>
    %slice3A_567 = vector.extract_strided_slice %get3A_15 {offsets = [0, 6016], sizes = [1, 128], strides = [1, 1]} : vector<1x8192xf32> to vector<1x128xf32>
    %add3A_568 = vector.broadcast %slice3A_567 : vector<1x128xf32> to vector<1024x128xf32>
    %add3A_569 = arith.addf %add3A_566, %add3A_568 : vector<1024x128xf32>
    %lt3A_570 = arith.cmpf olt, %add3A_569, %select_n3A_560 : vector<1024x128xf32>
    %select_n3A_571 = arith.select %lt3A_570, %add3A_569, %select_n3A_560 : vector<1024x128xi1>, vector<1024x128xf32>
    %jit3A_572 = arith.constant 3.000000e+00 : f32
    %broadcast_in_dim3A_573 = vector.broadcast %jit3A_572 : f32 to vector<1024x128xf32>
    %select_n3A_574 = arith.select %lt3A_570, %broadcast_in_dim3A_573, %select_n3A_563 : vector<1024x128xi1>, vector<1024x128xf32>
    %slice3A_575 = vector.extract_strided_slice %dot_general3A_12 {offsets = [0, 6144], sizes = [1024, 128], strides = [1, 1]} : vector<1024x8192xf32> to vector<1024x128xf32>
    %add3A_576 = vector.broadcast %broadcast_in_dim3A : vector<1024x1xf32> to vector<1024x128xf32>
    %add3A_577 = arith.addf %add3A_576, %slice3A_575 : vector<1024x128xf32>
    %slice3A_578 = vector.extract_strided_slice %get3A_15 {offsets = [0, 6144], sizes = [1, 128], strides = [1, 1]} : vector<1x8192xf32> to vector<1x128xf32>
    %add3A_579 = vector.broadcast %slice3A_578 : vector<1x128xf32> to vector<1024x128xf32>
    %add3A_580 = arith.addf %add3A_577, %add3A_579 : vector<1024x128xf32>
    %lt3A_581 = arith.cmpf olt, %add3A_580, %select_n3A_571 : vector<1024x128xf32>
    %select_n3A_582 = arith.select %lt3A_581, %add3A_580, %select_n3A_571 : vector<1024x128xi1>, vector<1024x128xf32>
    %jit3A_583 = arith.constant 4.000000e+00 : f32
    %broadcast_in_dim3A_584 = vector.broadcast %jit3A_583 : f32 to vector<1024x128xf32>
    %select_n3A_585 = arith.select %lt3A_581, %broadcast_in_dim3A_584, %select_n3A_574 : vector<1024x128xi1>, vector<1024x128xf32>
    %slice3A_586 = vector.extract_strided_slice %dot_general3A_12 {offsets = [0, 6272], sizes = [1024, 128], strides = [1, 1]} : vector<1024x8192xf32> to vector<1024x128xf32>
    %add3A_587 = vector.broadcast %broadcast_in_dim3A : vector<1024x1xf32> to vector<1024x128xf32>
    %add3A_588 = arith.addf %add3A_587, %slice3A_586 : vector<1024x128xf32>
    %slice3A_589 = vector.extract_strided_slice %get3A_15 {offsets = [0, 6272], sizes = [1, 128], strides = [1, 1]} : vector<1x8192xf32> to vector<1x128xf32>
    %add3A_590 = vector.broadcast %slice3A_589 : vector<1x128xf32> to vector<1024x128xf32>
    %add3A_591 = arith.addf %add3A_588, %add3A_590 : vector<1024x128xf32>
    %lt3A_592 = arith.cmpf olt, %add3A_591, %select_n3A_582 : vector<1024x128xf32>
    %select_n3A_593 = arith.select %lt3A_592, %add3A_591, %select_n3A_582 : vector<1024x128xi1>, vector<1024x128xf32>
    %jit3A_594 = arith.constant 5.000000e+00 : f32
    %broadcast_in_dim3A_595 = vector.broadcast %jit3A_594 : f32 to vector<1024x128xf32>
    %select_n3A_596 = arith.select %lt3A_592, %broadcast_in_dim3A_595, %select_n3A_585 : vector<1024x128xi1>, vector<1024x128xf32>
    %slice3A_597 = vector.extract_strided_slice %dot_general3A_12 {offsets = [0, 6400], sizes = [1024, 128], strides = [1, 1]} : vector<1024x8192xf32> to vector<1024x128xf32>
    %add3A_598 = vector.broadcast %broadcast_in_dim3A : vector<1024x1xf32> to vector<1024x128xf32>
    %add3A_599 = arith.addf %add3A_598, %slice3A_597 : vector<1024x128xf32>
    %slice3A_600 = vector.extract_strided_slice %get3A_15 {offsets = [0, 6400], sizes = [1, 128], strides = [1, 1]} : vector<1x8192xf32> to vector<1x128xf32>
    %add3A_601 = vector.broadcast %slice3A_600 : vector<1x128xf32> to vector<1024x128xf32>
    %add3A_602 = arith.addf %add3A_599, %add3A_601 : vector<1024x128xf32>
    %lt3A_603 = arith.cmpf olt, %add3A_602, %select_n3A_593 : vector<1024x128xf32>
    %select_n3A_604 = arith.select %lt3A_603, %add3A_602, %select_n3A_593 : vector<1024x128xi1>, vector<1024x128xf32>
    %jit3A_605 = arith.constant 6.000000e+00 : f32
    %broadcast_in_dim3A_606 = vector.broadcast %jit3A_605 : f32 to vector<1024x128xf32>
    %select_n3A_607 = arith.select %lt3A_603, %broadcast_in_dim3A_606, %select_n3A_596 : vector<1024x128xi1>, vector<1024x128xf32>
    %slice3A_608 = vector.extract_strided_slice %dot_general3A_12 {offsets = [0, 6528], sizes = [1024, 128], strides = [1, 1]} : vector<1024x8192xf32> to vector<1024x128xf32>
    %add3A_609 = vector.broadcast %broadcast_in_dim3A : vector<1024x1xf32> to vector<1024x128xf32>
    %add3A_610 = arith.addf %add3A_609, %slice3A_608 : vector<1024x128xf32>
    %slice3A_611 = vector.extract_strided_slice %get3A_15 {offsets = [0, 6528], sizes = [1, 128], strides = [1, 1]} : vector<1x8192xf32> to vector<1x128xf32>
    %add3A_612 = vector.broadcast %slice3A_611 : vector<1x128xf32> to vector<1024x128xf32>
    %add3A_613 = arith.addf %add3A_610, %add3A_612 : vector<1024x128xf32>
    %lt3A_614 = arith.cmpf olt, %add3A_613, %select_n3A_604 : vector<1024x128xf32>
    %select_n3A_615 = arith.select %lt3A_614, %add3A_613, %select_n3A_604 : vector<1024x128xi1>, vector<1024x128xf32>
    %jit3A_616 = arith.constant 7.000000e+00 : f32
    %broadcast_in_dim3A_617 = vector.broadcast %jit3A_616 : f32 to vector<1024x128xf32>
    %select_n3A_618 = arith.select %lt3A_614, %broadcast_in_dim3A_617, %select_n3A_607 : vector<1024x128xi1>, vector<1024x128xf32>
    %slice3A_619 = vector.extract_strided_slice %dot_general3A_12 {offsets = [0, 6656], sizes = [1024, 128], strides = [1, 1]} : vector<1024x8192xf32> to vector<1024x128xf32>
    %add3A_620 = vector.broadcast %broadcast_in_dim3A : vector<1024x1xf32> to vector<1024x128xf32>
    %add3A_621 = arith.addf %add3A_620, %slice3A_619 : vector<1024x128xf32>
    %slice3A_622 = vector.extract_strided_slice %get3A_15 {offsets = [0, 6656], sizes = [1, 128], strides = [1, 1]} : vector<1x8192xf32> to vector<1x128xf32>
    %add3A_623 = vector.broadcast %slice3A_622 : vector<1x128xf32> to vector<1024x128xf32>
    %add3A_624 = arith.addf %add3A_621, %add3A_623 : vector<1024x128xf32>
    %lt3A_625 = arith.cmpf olt, %add3A_624, %select_n3A_615 : vector<1024x128xf32>
    %select_n3A_626 = arith.select %lt3A_625, %add3A_624, %select_n3A_615 : vector<1024x128xi1>, vector<1024x128xf32>
    %jit3A_627 = arith.constant 8.000000e+00 : f32
    %broadcast_in_dim3A_628 = vector.broadcast %jit3A_627 : f32 to vector<1024x128xf32>
    %select_n3A_629 = arith.select %lt3A_625, %broadcast_in_dim3A_628, %select_n3A_618 : vector<1024x128xi1>, vector<1024x128xf32>
    %slice3A_630 = vector.extract_strided_slice %dot_general3A_12 {offsets = [0, 6784], sizes = [1024, 128], strides = [1, 1]} : vector<1024x8192xf32> to vector<1024x128xf32>
    %add3A_631 = vector.broadcast %broadcast_in_dim3A : vector<1024x1xf32> to vector<1024x128xf32>
    %add3A_632 = arith.addf %add3A_631, %slice3A_630 : vector<1024x128xf32>
    %slice3A_633 = vector.extract_strided_slice %get3A_15 {offsets = [0, 6784], sizes = [1, 128], strides = [1, 1]} : vector<1x8192xf32> to vector<1x128xf32>
    %add3A_634 = vector.broadcast %slice3A_633 : vector<1x128xf32> to vector<1024x128xf32>
    %add3A_635 = arith.addf %add3A_632, %add3A_634 : vector<1024x128xf32>
    %lt3A_636 = arith.cmpf olt, %add3A_635, %select_n3A_626 : vector<1024x128xf32>
    %select_n3A_637 = arith.select %lt3A_636, %add3A_635, %select_n3A_626 : vector<1024x128xi1>, vector<1024x128xf32>
    %jit3A_638 = arith.constant 9.000000e+00 : f32
    %broadcast_in_dim3A_639 = vector.broadcast %jit3A_638 : f32 to vector<1024x128xf32>
    %select_n3A_640 = arith.select %lt3A_636, %broadcast_in_dim3A_639, %select_n3A_629 : vector<1024x128xi1>, vector<1024x128xf32>
    %slice3A_641 = vector.extract_strided_slice %dot_general3A_12 {offsets = [0, 6912], sizes = [1024, 128], strides = [1, 1]} : vector<1024x8192xf32> to vector<1024x128xf32>
    %add3A_642 = vector.broadcast %broadcast_in_dim3A : vector<1024x1xf32> to vector<1024x128xf32>
    %add3A_643 = arith.addf %add3A_642, %slice3A_641 : vector<1024x128xf32>
    %slice3A_644 = vector.extract_strided_slice %get3A_15 {offsets = [0, 6912], sizes = [1, 128], strides = [1, 1]} : vector<1x8192xf32> to vector<1x128xf32>
    %add3A_645 = vector.broadcast %slice3A_644 : vector<1x128xf32> to vector<1024x128xf32>
    %add3A_646 = arith.addf %add3A_643, %add3A_645 : vector<1024x128xf32>
    %lt3A_647 = arith.cmpf olt, %add3A_646, %select_n3A_637 : vector<1024x128xf32>
    %select_n3A_648 = arith.select %lt3A_647, %add3A_646, %select_n3A_637 : vector<1024x128xi1>, vector<1024x128xf32>
    %jit3A_649 = arith.constant 1.000000e+01 : f32
    %broadcast_in_dim3A_650 = vector.broadcast %jit3A_649 : f32 to vector<1024x128xf32>
    %select_n3A_651 = arith.select %lt3A_647, %broadcast_in_dim3A_650, %select_n3A_640 : vector<1024x128xi1>, vector<1024x128xf32>
    %slice3A_652 = vector.extract_strided_slice %dot_general3A_12 {offsets = [0, 7040], sizes = [1024, 128], strides = [1, 1]} : vector<1024x8192xf32> to vector<1024x128xf32>
    %add3A_653 = vector.broadcast %broadcast_in_dim3A : vector<1024x1xf32> to vector<1024x128xf32>
    %add3A_654 = arith.addf %add3A_653, %slice3A_652 : vector<1024x128xf32>
    %slice3A_655 = vector.extract_strided_slice %get3A_15 {offsets = [0, 7040], sizes = [1, 128], strides = [1, 1]} : vector<1x8192xf32> to vector<1x128xf32>
    %add3A_656 = vector.broadcast %slice3A_655 : vector<1x128xf32> to vector<1024x128xf32>
    %add3A_657 = arith.addf %add3A_654, %add3A_656 : vector<1024x128xf32>
    %lt3A_658 = arith.cmpf olt, %add3A_657, %select_n3A_648 : vector<1024x128xf32>
    %select_n3A_659 = arith.select %lt3A_658, %add3A_657, %select_n3A_648 : vector<1024x128xi1>, vector<1024x128xf32>
    %jit3A_660 = arith.constant 1.100000e+01 : f32
    %broadcast_in_dim3A_661 = vector.broadcast %jit3A_660 : f32 to vector<1024x128xf32>
    %select_n3A_662 = arith.select %lt3A_658, %broadcast_in_dim3A_661, %select_n3A_651 : vector<1024x128xi1>, vector<1024x128xf32>
    %slice3A_663 = vector.extract_strided_slice %dot_general3A_12 {offsets = [0, 7168], sizes = [1024, 128], strides = [1, 1]} : vector<1024x8192xf32> to vector<1024x128xf32>
    %add3A_664 = vector.broadcast %broadcast_in_dim3A : vector<1024x1xf32> to vector<1024x128xf32>
    %add3A_665 = arith.addf %add3A_664, %slice3A_663 : vector<1024x128xf32>
    %slice3A_666 = vector.extract_strided_slice %get3A_15 {offsets = [0, 7168], sizes = [1, 128], strides = [1, 1]} : vector<1x8192xf32> to vector<1x128xf32>
    %add3A_667 = vector.broadcast %slice3A_666 : vector<1x128xf32> to vector<1024x128xf32>
    %add3A_668 = arith.addf %add3A_665, %add3A_667 : vector<1024x128xf32>
    %lt3A_669 = arith.cmpf olt, %add3A_668, %select_n3A_659 : vector<1024x128xf32>
    %select_n3A_670 = arith.select %lt3A_669, %add3A_668, %select_n3A_659 : vector<1024x128xi1>, vector<1024x128xf32>
    %jit3A_671 = arith.constant 1.200000e+01 : f32
    %broadcast_in_dim3A_672 = vector.broadcast %jit3A_671 : f32 to vector<1024x128xf32>
    %select_n3A_673 = arith.select %lt3A_669, %broadcast_in_dim3A_672, %select_n3A_662 : vector<1024x128xi1>, vector<1024x128xf32>
    %slice3A_674 = vector.extract_strided_slice %dot_general3A_12 {offsets = [0, 7296], sizes = [1024, 128], strides = [1, 1]} : vector<1024x8192xf32> to vector<1024x128xf32>
    %add3A_675 = vector.broadcast %broadcast_in_dim3A : vector<1024x1xf32> to vector<1024x128xf32>
    %add3A_676 = arith.addf %add3A_675, %slice3A_674 : vector<1024x128xf32>
    %slice3A_677 = vector.extract_strided_slice %get3A_15 {offsets = [0, 7296], sizes = [1, 128], strides = [1, 1]} : vector<1x8192xf32> to vector<1x128xf32>
    %add3A_678 = vector.broadcast %slice3A_677 : vector<1x128xf32> to vector<1024x128xf32>
    %add3A_679 = arith.addf %add3A_676, %add3A_678 : vector<1024x128xf32>
    %lt3A_680 = arith.cmpf olt, %add3A_679, %select_n3A_670 : vector<1024x128xf32>
    %select_n3A_681 = arith.select %lt3A_680, %add3A_679, %select_n3A_670 : vector<1024x128xi1>, vector<1024x128xf32>
    %jit3A_682 = arith.constant 1.300000e+01 : f32
    %broadcast_in_dim3A_683 = vector.broadcast %jit3A_682 : f32 to vector<1024x128xf32>
    %select_n3A_684 = arith.select %lt3A_680, %broadcast_in_dim3A_683, %select_n3A_673 : vector<1024x128xi1>, vector<1024x128xf32>
    %slice3A_685 = vector.extract_strided_slice %dot_general3A_12 {offsets = [0, 7424], sizes = [1024, 128], strides = [1, 1]} : vector<1024x8192xf32> to vector<1024x128xf32>
    %add3A_686 = vector.broadcast %broadcast_in_dim3A : vector<1024x1xf32> to vector<1024x128xf32>
    %add3A_687 = arith.addf %add3A_686, %slice3A_685 : vector<1024x128xf32>
    %slice3A_688 = vector.extract_strided_slice %get3A_15 {offsets = [0, 7424], sizes = [1, 128], strides = [1, 1]} : vector<1x8192xf32> to vector<1x128xf32>
    %add3A_689 = vector.broadcast %slice3A_688 : vector<1x128xf32> to vector<1024x128xf32>
    %add3A_690 = arith.addf %add3A_687, %add3A_689 : vector<1024x128xf32>
    %lt3A_691 = arith.cmpf olt, %add3A_690, %select_n3A_681 : vector<1024x128xf32>
    %select_n3A_692 = arith.select %lt3A_691, %add3A_690, %select_n3A_681 : vector<1024x128xi1>, vector<1024x128xf32>
    %jit3A_693 = arith.constant 1.400000e+01 : f32
    %broadcast_in_dim3A_694 = vector.broadcast %jit3A_693 : f32 to vector<1024x128xf32>
    %select_n3A_695 = arith.select %lt3A_691, %broadcast_in_dim3A_694, %select_n3A_684 : vector<1024x128xi1>, vector<1024x128xf32>
    %slice3A_696 = vector.extract_strided_slice %dot_general3A_12 {offsets = [0, 7552], sizes = [1024, 128], strides = [1, 1]} : vector<1024x8192xf32> to vector<1024x128xf32>
    %add3A_697 = vector.broadcast %broadcast_in_dim3A : vector<1024x1xf32> to vector<1024x128xf32>
    %add3A_698 = arith.addf %add3A_697, %slice3A_696 : vector<1024x128xf32>
    %slice3A_699 = vector.extract_strided_slice %get3A_15 {offsets = [0, 7552], sizes = [1, 128], strides = [1, 1]} : vector<1x8192xf32> to vector<1x128xf32>
    %add3A_700 = vector.broadcast %slice3A_699 : vector<1x128xf32> to vector<1024x128xf32>
    %add3A_701 = arith.addf %add3A_698, %add3A_700 : vector<1024x128xf32>
    %lt3A_702 = arith.cmpf olt, %add3A_701, %select_n3A_692 : vector<1024x128xf32>
    %select_n3A_703 = arith.select %lt3A_702, %add3A_701, %select_n3A_692 : vector<1024x128xi1>, vector<1024x128xf32>
    %jit3A_704 = arith.constant 1.500000e+01 : f32
    %broadcast_in_dim3A_705 = vector.broadcast %jit3A_704 : f32 to vector<1024x128xf32>
    %select_n3A_706 = arith.select %lt3A_702, %broadcast_in_dim3A_705, %select_n3A_695 : vector<1024x128xi1>, vector<1024x128xf32>
    %slice3A_707 = vector.extract_strided_slice %dot_general3A_12 {offsets = [0, 7680], sizes = [1024, 128], strides = [1, 1]} : vector<1024x8192xf32> to vector<1024x128xf32>
    %add3A_708 = vector.broadcast %broadcast_in_dim3A : vector<1024x1xf32> to vector<1024x128xf32>
    %add3A_709 = arith.addf %add3A_708, %slice3A_707 : vector<1024x128xf32>
    %slice3A_710 = vector.extract_strided_slice %get3A_15 {offsets = [0, 7680], sizes = [1, 128], strides = [1, 1]} : vector<1x8192xf32> to vector<1x128xf32>
    %add3A_711 = vector.broadcast %slice3A_710 : vector<1x128xf32> to vector<1024x128xf32>
    %add3A_712 = arith.addf %add3A_709, %add3A_711 : vector<1024x128xf32>
    %lt3A_713 = arith.cmpf olt, %add3A_712, %select_n3A_703 : vector<1024x128xf32>
    %select_n3A_714 = arith.select %lt3A_713, %add3A_712, %select_n3A_703 : vector<1024x128xi1>, vector<1024x128xf32>
    %jit3A_715 = arith.constant 1.600000e+01 : f32
    %broadcast_in_dim3A_716 = vector.broadcast %jit3A_715 : f32 to vector<1024x128xf32>
    %select_n3A_717 = arith.select %lt3A_713, %broadcast_in_dim3A_716, %select_n3A_706 : vector<1024x128xi1>, vector<1024x128xf32>
    %slice3A_718 = vector.extract_strided_slice %dot_general3A_12 {offsets = [0, 7808], sizes = [1024, 128], strides = [1, 1]} : vector<1024x8192xf32> to vector<1024x128xf32>
    %add3A_719 = vector.broadcast %broadcast_in_dim3A : vector<1024x1xf32> to vector<1024x128xf32>
    %add3A_720 = arith.addf %add3A_719, %slice3A_718 : vector<1024x128xf32>
    %slice3A_721 = vector.extract_strided_slice %get3A_15 {offsets = [0, 7808], sizes = [1, 128], strides = [1, 1]} : vector<1x8192xf32> to vector<1x128xf32>
    %add3A_722 = vector.broadcast %slice3A_721 : vector<1x128xf32> to vector<1024x128xf32>
    %add3A_723 = arith.addf %add3A_720, %add3A_722 : vector<1024x128xf32>
    %lt3A_724 = arith.cmpf olt, %add3A_723, %select_n3A_714 : vector<1024x128xf32>
    %select_n3A_725 = arith.select %lt3A_724, %add3A_723, %select_n3A_714 : vector<1024x128xi1>, vector<1024x128xf32>
    %jit3A_726 = arith.constant 1.700000e+01 : f32
    %broadcast_in_dim3A_727 = vector.broadcast %jit3A_726 : f32 to vector<1024x128xf32>
    %select_n3A_728 = arith.select %lt3A_724, %broadcast_in_dim3A_727, %select_n3A_717 : vector<1024x128xi1>, vector<1024x128xf32>
    %slice3A_729 = vector.extract_strided_slice %dot_general3A_12 {offsets = [0, 7936], sizes = [1024, 128], strides = [1, 1]} : vector<1024x8192xf32> to vector<1024x128xf32>
    %add3A_730 = vector.broadcast %broadcast_in_dim3A : vector<1024x1xf32> to vector<1024x128xf32>
    %add3A_731 = arith.addf %add3A_730, %slice3A_729 : vector<1024x128xf32>
    %slice3A_732 = vector.extract_strided_slice %get3A_15 {offsets = [0, 7936], sizes = [1, 128], strides = [1, 1]} : vector<1x8192xf32> to vector<1x128xf32>
    %add3A_733 = vector.broadcast %slice3A_732 : vector<1x128xf32> to vector<1024x128xf32>
    %add3A_734 = arith.addf %add3A_731, %add3A_733 : vector<1024x128xf32>
    %lt3A_735 = arith.cmpf olt, %add3A_734, %select_n3A_725 : vector<1024x128xf32>
    %select_n3A_736 = arith.select %lt3A_735, %add3A_734, %select_n3A_725 : vector<1024x128xi1>, vector<1024x128xf32>
    %jit3A_737 = arith.constant 1.800000e+01 : f32
    %broadcast_in_dim3A_738 = vector.broadcast %jit3A_737 : f32 to vector<1024x128xf32>
    %select_n3A_739 = arith.select %lt3A_735, %broadcast_in_dim3A_738, %select_n3A_728 : vector<1024x128xi1>, vector<1024x128xf32>
    %slice3A_740 = vector.extract_strided_slice %dot_general3A_12 {offsets = [0, 8064], sizes = [1024, 128], strides = [1, 1]} : vector<1024x8192xf32> to vector<1024x128xf32>
    %add3A_741 = vector.broadcast %broadcast_in_dim3A : vector<1024x1xf32> to vector<1024x128xf32>
    %add3A_742 = arith.addf %add3A_741, %slice3A_740 : vector<1024x128xf32>
    %slice3A_743 = vector.extract_strided_slice %get3A_15 {offsets = [0, 8064], sizes = [1, 128], strides = [1, 1]} : vector<1x8192xf32> to vector<1x128xf32>
    %add3A_744 = vector.broadcast %slice3A_743 : vector<1x128xf32> to vector<1024x128xf32>
    %add3A_745 = arith.addf %add3A_742, %add3A_744 : vector<1024x128xf32>
    %lt3A_746 = arith.cmpf olt, %add3A_745, %select_n3A_736 : vector<1024x128xf32>
    %select_n3A_747 = arith.select %lt3A_746, %add3A_745, %select_n3A_736 : vector<1024x128xi1>, vector<1024x128xf32>
    %jit3A_748 = arith.constant 1.900000e+01 : f32
    %broadcast_in_dim3A_749 = vector.broadcast %jit3A_748 : f32 to vector<1024x128xf32>
    %select_n3A_750 = arith.select %lt3A_746, %broadcast_in_dim3A_749, %select_n3A_739 : vector<1024x128xi1>, vector<1024x128xf32>
    %reduce_min3A_751 = arith.constant dense<0x7F800000> : vector<1024xf32>
    %reduce_min3A_752 = vector.multi_reduction <minimumf>, %select_n3A_747, %reduce_min3A_751 [1] : vector<1024x128xf32> to vector<1024xf32>
    %broadcast_in_dim3A_753 = vector.shape_cast %reduce_min3A_752 : vector<1024xf32> to vector<1024x1xf32>
    %iota3A_754 = tpu.iota {dimensions = array<i32: 1>} : vector<1024x128xi32>
    %convert_element_type3A_755 = arith.sitofp %iota3A_754 : vector<1024x128xi32> to vector<1024x128xf32>
    %mul3A_756 = arith.constant 1.280000e+02 : f32
    %mul3A_757 = vector.broadcast %mul3A_756 : f32 to vector<1024x128xf32>
    %mul3A_758 = arith.mulf %select_n3A_750, %mul3A_757 : vector<1024x128xf32>
    %add3A_759 = arith.addf %mul3A_758, %convert_element_type3A_755 : vector<1024x128xf32>
    %add3A_760 = arith.constant 5.632000e+03 : f32
    %add3A_761 = vector.broadcast %add3A_760 : f32 to vector<1024x128xf32>
    %add3A_762 = arith.addf %add3A_759, %add3A_761 : vector<1024x128xf32>
    %eq3A_763 = vector.broadcast %broadcast_in_dim3A_753 : vector<1024x1xf32> to vector<1024x128xf32>
    %eq3A_764 = arith.cmpf oeq, %select_n3A_747, %eq3A_763 : vector<1024x128xf32>
    %jit3A_765 = arith.constant 8.192000e+03 : f32
    %broadcast_in_dim3A_766 = vector.broadcast %jit3A_765 : f32 to vector<1024x128xf32>
    %select_n3A_767 = arith.select %eq3A_764, %add3A_762, %broadcast_in_dim3A_766 : vector<1024x128xi1>, vector<1024x128xf32>
    %reduce_min3A_768 = arith.constant dense<0x7F800000> : vector<1024xf32>
    %reduce_min3A_769 = vector.multi_reduction <minimumf>, %select_n3A_767, %reduce_min3A_768 [1] : vector<1024x128xf32> to vector<1024xf32>
    %broadcast_in_dim3A_770 = vector.shape_cast %reduce_min3A_769 : vector<1024xf32> to vector<1024x1xf32>
    %convert_element_type3A_771 = arith.extf %convert_element_type3A_533 : vector<1024x1xbf16> to vector<1024x1xf32>
    %lt3A_772 = arith.cmpf olt, %broadcast_in_dim3A_753, %convert_element_type3A_771 : vector<1024x1xf32>
    %select_n3A_773 = arith.select %lt3A_772, %broadcast_in_dim3A_770, %select_n3A_530 : vector<1024x1xi1>, vector<1024x1xf32>
    %select_n3A_774 = arith.select %lt3A_772, %broadcast_in_dim3A_753, %select_n3A_531 : vector<1024x1xi1>, vector<1024x1xf32>
    %convert_element_type3A_775 = arith.fptosi %select_n3A_773 : vector<1024x1xf32> to vector<1024x1xi32>
    %swap3A = arith.constant 0 : index
    %swap3A_776 = arith.constant 0 : index
    %swap3A_777 = vector.load %arg4[%swap3A, %swap3A_776] : memref<1024x1xi32, #tpu.memory_space<vmem>>, vector<1024x1xi32>
    tpu.vector_store %arg4[%swap3A, %swap3A_776], %convert_element_type3A_775 {strides = array<i32>} : memref<1024x1xi32, #tpu.memory_space<vmem>>, vector<1024x1xi32>,
    %reduce_sum3A_778 = vector.shape_cast %select_n3A_774 : vector<1024x1xf32> to vector<1x1024x1xf32>
    %reduce_sum3A_779 = arith.constant dense<0.000000e+00> : vector<1xf32>
    %reduce_sum3A_780 = vector.multi_reduction <add>, %reduce_sum3A_778, %reduce_sum3A_779 [1, 2] : vector<1x1024x1xf32> to vector<1xf32>
    %reduce_sum3A_781 = vector.shape_cast %reduce_sum3A_780 : vector<1xf32> to vector<1x1x1xf32>
    %reduce_sum3A_782 = vector.extract %reduce_sum3A_781[0, 0, 0] : f32 from vector<1x1x1xf32>
    %eq3A_783 = arith.constant 0 : i32
    %eq3A_784 = arith.cmpi eq, %arg0, %eq3A_783 : i32
    %convert_element_type3A_785 = arith.extui %eq3A_784 : i1 to i32
    %cond3A_786 = arith.constant 0 : i32
    %cond3A_787 = arith.cmpi ne, %convert_element_type3A_785, %cond3A_786 : i32
    scf.if %cond3A_787 {
      %swap3A_792 = arith.constant 0 : index
      %swap3A_793 = arith.constant 0 : index
      %swap3A_794 = memref.load %arg5[%swap3A_792, %swap3A_793] : memref<1x1xf32, #tpu.memory_space<smem>>
      memref.store %reduce_sum3A_782, %arg5[%swap3A_792, %swap3A_793] : memref<1x1xf32, #tpu.memory_space<smem>>
    } else {
    }
    %gt3A = arith.constant 0 : i32
    %gt3A_788 = arith.cmpi sgt, %arg0, %gt3A : i32
    %convert_element_type3A_789 = arith.extui %gt3A_788 : i1 to i32
    %cond3A_790 = arith.constant 0 : i32
    %cond3A_791 = arith.cmpi ne, %convert_element_type3A_789, %cond3A_790 : i32
    scf.if %cond3A_791 {
      %get3A_792 = arith.constant 0 : index
      %get3A_793 = arith.constant 0 : index
      %get3A_794 = memref.load %arg5[%get3A_792, %get3A_793] : memref<1x1xf32, #tpu.memory_space<smem>>
      %add3A_795 = arith.addf %get3A_794, %reduce_sum3A_782 : f32
      %swap3A_796 = arith.constant 0 : index
      %swap3A_797 = arith.constant 0 : index
      %swap3A_798 = memref.load %arg5[%swap3A_796, %swap3A_797] : memref<1x1xf32, #tpu.memory_space<smem>>
      memref.store %add3A_795, %arg5[%swap3A_796, %swap3A_797] : memref<1x1xf32, #tpu.memory_space<smem>>
    } else {
    }
    return
  }
  func.func @transform_0(%arg0: i32) -> (i32, i32) {
    %c0_i32 = arith.constant 0 : i32
    %c0_i32_0 = arith.constant 0 : i32
    return %arg0, %c0_i32 : i32, i32
  }
  func.func @transform_1(%arg0: i32) -> (i32, i32) {
    %c0_i32 = arith.constant 0 : i32
    %c0_i32_0 = arith.constant 0 : i32
    %c0_i32_1 = arith.constant 0 : i32
    return %c0_i32, %c0_i32_0 : i32, i32
  }
  func.func @transform_2(%arg0: i32) -> (i32, i32) {
    %c0_i32 = arith.constant 0 : i32
    %c0_i32_0 = arith.constant 0 : i32
    %c0_i32_1 = arith.constant 0 : i32
    return %c0_i32, %c0_i32_0 : i32, i32
  }
  func.func @transform_3(%arg0: i32) -> (i32, i32) {
    %c0_i32 = arith.constant 0 : i32
    %c0_i32_0 = arith.constant 0 : i32
    return %arg0, %c0_i32 : i32, i32
  }
  func.func @transform_4(%arg0: i32) -> (i32, i32) {
    %c0_i32 = arith.constant 0 : i32
    %c0_i32_0 = arith.constant 0 : i32
    %c0_i32_1 = arith.constant 0 : i32
    return %c0_i32, %c0_i32_0 : i32, i32
  }
}

</mosaic_0001>

<sc_bundles>
// kernel: kernel.4.cloned.1.call-start
scs
__scs_entry_jumppad:
0x0: {  	(pc) =	sbr.rel $0x88, $3  }
0x1: {  	(tag) =	ssettag $0x0;
	lr =	simm.s32 $0x1  }
0x2: {  	[smem:$0x3F9F] =	sst lr;
	_ =	strace $0xD0000000  }
0x3: {  	_ = 	snop  }
0x4: {  	_ = 	snop  }
0x5: {  	_ = 	snop  }
0x6: {  	_ = 	snop  }
0x7: {  	_ = 	snop  }
__scs_overlays_trampoline_lowered:
0x8: {  	[smem:$0x3FAE] =	sst s0  }
0x9: {  	[smem:$0x3FAF] =	sst s1  }
0xa: {  	[smem:$0x3FB0] =	sst s2  }
0xb: {  	[smem:$0x3FB1] =	sst s3  }
0xc: {  	[smem:$0x3FB2] =	sst s4  }
0xd: {  	[smem:$0x3FB3] =	sst s5  }
0xe: {  	[smem:$0x3FB4] =	sst s6  }
0xf: {  	[smem:$0x3FB5] =	sst s7  }
0x10: {  	[smem:$0x3FB6] =	sst s8  }
0x11: {  	[smem:$0x3FB7] =	sst s9;
	s0 =	simm.s32 @!p0 $0x0  }
0x12: {  	s1 =	sld [smem:$0x3F9D];
	s0 =	simm.s32 @p0 $0x1  }
0x13: {  	[smem:$0x3FB8] =	sst s0;
	s0 =	simm.s32 @!p1 $0x0  }
0x14: {  	s2 =	sld [smem:$0x3F9C];
	s0 =	simm.s32 @p1 $0x1  }
0x15: {  	[smem:$0x3FB9] =	sst s0;
	s0 =	simm.s32 @!p2 $0x0  }
0x16: {  	s3 =	sld [smem:$0x3FDB];
	s0 =	simm.s32 @p2 $0x1  }
0x17: {  	s4 =	simm.s32 $0x1BF5;
	[smem:$0x3FBB] =	sst s0  }
0x18: {  	s0 =	sld [smem:$0x3F9E];
	_ =	swait.ge [sflag:s4], $0x0  }
0x19: {  	s7 =	sld [smem:$0x3F9F]  }
0x1a: {  	s8 =	sadd.s32 $0xFFFFE003, lr  }
0x1b: {  	s9 =	sadd.s32 $0xFFFFFEF7, lr;
	s5 =	simm.s32 $0xFFFFFFFF;
	p2 =	slt.u32 s8, $0xFFFFF086  }
0x1c: {  	p1 =	slt.u32 s9, $0xF7A;
	s5 =	simm.s32 @!p2 $0x0  }
0x1d: {  	s5 =	simm.s32 @p1 $0x1;
	p0 =	seq.s32 s7, s2  }
0x1e: {  	s7 =	smul.u32 @!p0 $0xF7A, s2;
	p2 =	seq.s32 @!p0 s5, $0x0  }
0x1f: {  	s9 =	smul.u32 $0xF7A, s1;
	s8 =	simm.s32 @!p0 $0x1BF5;
	p2 =	por !p2, p0  }
0x20: {  	[sflag:s8] =	ssyncset.s32 @!p0 $0xFFFFF086;
	s6 =	sadd.s32 @!p0 s3, s7;
	s7 =	simm.s32 @!p0 $0x108  }
0x21: {  	s3 =	sadd.s32 s3, s9;
	s6 =	sadd.s32 @!p0 $0x88, s6;
	s7 =	simm.s32 @p2 $0x1082  }
0x22: {  	[simem:s7], [sflag:s8] =	dma.local @!p0 [hbm:s6], $0xF7A  }
0x23: {  	s9 =	sor.u32 $0xD0000000, s2;
	s6 =	simm.s32 $0x108;
	_ =	swait.ge @!p0 [sflag:s8], $0x0  }
0x24: {  	s3 =	sadd.s32 $0x88, s3;
	s6 =	simm.s32 @!p1 $0x1082;
	[sflag:s4] =	ssyncset.s32 $0xFFFFF086  }
0x25: {  	[simem:s6], [sflag:s4] =	dma.local [hbm:s3], $0xF7A  }
0x26: {  	[smem:$0x3F9F] =	sst s1;
	(tag) =	ssettag s2;
	_ =	strace s9  }
0x27: {  	s1 =	sld [smem:$0x3FAF]  }
0x28: {  	s2 =	sld [smem:$0x3FB0]  }
0x29: {  	s4 =	sld [smem:$0x3FB2]  }
0x2a: {  	p0 =	seq.s32 s5, $0x0;
	s5 =	sld [smem:$0x3FB3]  }
0x2b: {  	s6 =	sld [smem:$0x3FB4]  }
0x2c: {  	s7 =	sld [smem:$0x3FB5]  }
0x2d: {  	s3 =	simm.s32 $0x108;
	s8 =	sld [smem:$0x3FB6]  }
0x2e: {  	s3 =	simm.s32 @!p0 $0x1082;
	s9 =	sld [smem:$0x3FB7]  }
0x2f: {  	lr =	sadd.s32 s0, s3;
	s0 =	sld [smem:$0x3FAE]  }
0x30: {  	s3 =	sld [smem:$0x3FB1]  }
0x31: {  	[smem:$0x3FBA] =	sst s10  }
0x32: {  	s10 =	sld [smem:$0x3FB8];
	_ =	sdelay $0x3  }
0x33: {  	p0 =	seq.s32 s10, $0x1;
	s10 =	sld [smem:$0x3FBA];
	_ =	sdelay $0x3  }
0x34: {  	[smem:$0x3FBA] =	sst s10  }
0x35: {  	s10 =	sld [smem:$0x3FB9];
	_ =	sdelay $0x3  }
0x36: {  	p1 =	seq.s32 s10, $0x1;
	s10 =	sld [smem:$0x3FBA];
	_ =	sdelay $0x3  }
0x37: {  	[smem:$0x3FBA] =	sst s10  }
0x38: {  	s10 =	sld [smem:$0x3FBB]  }
0x39: {  	_ = 	snop;
	(pc) =	sbr.ind lr, $3  }
0x3a: {  	_ = 	snop  }
0x3b: {  	_ = 	snop  }
0x3c: {  	p2 =	seq.s32 s10, $0x1;
	s10 =	sld [smem:$0x3FBA]  }
0x3d: {  	_ =	shalt  }
0x3e: {  	_ =	shalt  }
0x3f: {  	_ =	shalt  }
0x40: {  	_ =	shalt  }
0x41: {  	_ =	shalt  }
0x42: {  	_ =	shalt  }
0x43: {  	_ =	shalt  }
0x44: {  	_ =	shalt  }
0x45: {  	_ =	shalt  }
0x46: {  	_ =	shalt  }
0x47: {  	_ =	shalt  }
0x48: {  	_ =	shalt  }
0x49: {  	_ =	shalt  }
0x4a: {  	_ =	shalt  }
0x4b: {  	_ =	shalt  }
0x4c: {  	_ =	shalt  }
0x4d: {  	_ =	shalt  }
0x4e: {  	_ =	shalt  }
0x4f: {  	_ =	shalt  }
0x50: {  	_ =	shalt  }
0x51: {  	_ =	shalt  }
0x52: {  	_ =	shalt  }
0x53: {  	_ =	shalt  }
0x54: {  	_ =	shalt  }
0x55: {  	_ =	shalt  }
0x56: {  	_ =	shalt  }
0x57: {  	_ =	shalt  }
0x58: {  	_ =	shalt  }
0x59: {  	_ =	shalt  }
0x5a: {  	_ =	shalt  }
0x5b: {  	_ =	shalt  }
0x5c: {  	_ =	shalt  }
0x5d: {  	_ =	shalt  }
0x5e: {  	_ =	shalt  }
0x5f: {  	_ =	shalt  }
0x60: {  	_ =	shalt  }
0x61: {  	_ =	shalt  }
0x62: {  	_ =	shalt  }
0x63: {  	_ =	shalt  }
0x64: {  	_ =	shalt  }
0x65: {  	_ =	shalt  }
0x66: {  	_ =	shalt  }
0x67: {  	_ =	shalt  }
0x68: {  	_ =	shalt  }
0x69: {  	_ =	shalt  }
0x6a: {  	_ =	shalt  }
0x6b: {  	_ =	shalt  }
0x6c: {  	_ =	shalt  }
0x6d: {  	_ =	shalt  }
0x6e: {  	_ =	shalt  }
0x6f: {  	_ =	shalt  }
0x70: {  	_ =	shalt  }
0x71: {  	_ =	shalt  }
0x72: {  	_ =	shalt  }
0x73: {  	_ =	shalt  }
0x74: {  	_ =	shalt  }
0x75: {  	_ =	shalt  }
0x76: {  	_ =	shalt  }
0x77: {  	_ =	shalt  }
0x78: {  	_ =	shalt  }
0x79: {  	_ =	shalt  }
0x7a: {  	_ =	shalt  }
0x7b: {  	_ =	shalt  }
0x7c: {  	_ =	shalt  }
0x7d: {  	_ =	shalt  }
0x7e: {  	_ =	shalt  }
0x7f: {  	_ =	shalt  }
0x80: {  	_ =	shalt  }
0x81: {  	_ =	shalt  }
0x82: {  	_ =	shalt  }
0x83: {  	_ =	shalt  }
0x84: {  	_ =	shalt  }
0x85: {  	_ =	shalt  }
0x86: {  	_ =	shalt  }
0x87: {  	_ =	shalt  }
.Lfunc_end0:
.L_simem_size_0:
called_computation_lowered:
.L_overlay_start_0:
0x88: {  	s2 =	sld [smem:$0x3FD9]  }
0x89: {  	s3 =	sld [smem:$0x3FFE];
	_ =	sdelay $0x1  }
0x8a: {  	s1 =	srdreg.scid  }
0x8b: {  	s0 =	sand.u32 $0x1, s1  }
0x8c: {  	s14 =	sshll.u32 s0, $0xA;
	s2 =	sadd.s32 s3, s2  }
0x8d: {  	s2 =	sadd.s32 s2, s14  }
0x8e: {  	[smem:$0x3FC6] =	sst s2  }
0x8f: {  	_ = 	snop  }
0x90: {  	s2 =	sld [smem:$0x3FD0];
	_ =	sdelay $0x2  }
0x91: {  	s4 =	simm.s32 $0xA;
	s5 =	simm.s32 $0x10;
	s15 =	sld [smem:$0x3FC8]  }
0x92: {  	[smem:s5], [sflag:s4] =	dma.local [hbm:s2], $0x1  }
0x93: {  	_ =	swait.eq [sflag:s4], $0x1  }
0x94: {  	[sflag:s4] =	ssyncset.done $0x0  }
0x95: {  	[sflag:s4] =	ssyncadd.s32 $0xFFFFFFFF  }
0x96: {  	s16 =	sld [smem:$0x10];
	(tm) =	ssettm $0x1  }
0x97: {  	s17 =	sld [smem:$0x3FFB];
	_ =	sdelay $0x3  }
0x98: {  	_ =	strace s17  }
0x99: {  	s4 =	sld [smem:$0x3FFC];
	_ =	sdelay $0x3  }
0x9a: {  	_ =	strace s4  }
0x9b: {  	s4 =	sld [smem:$0x3FFD];
	_ =	sdelay $0x3  }
0x9c: {  	_ =	strace s4  }
0x9d: {  	_ =	strace $0x8FFFFFFF  }
0x9e: {  	s18 =	sld [smem:$0x3FDB];
	_ =	sdelay $0x1  }
0x9f: {  	s19 =	simm.s32 $_scs_section_size  }
0xa0: {  	s6 =	simm.s32 $_size__tile_overlayer_lowered;
	s7 =	simm.s32 $_tile_overlayer_lowered  }
0xa1: {  	s22 =	simm.s32 $0x1BFF;
	s21 =	sshll.u32 s7, $0x1;
	s4 =	sadd.s32 s19, s18  }
0xa2: {  	s8 =	simm.s32 $0x0;
	s20 =	sshll.u32 s6, $0x1;
	s6 =	sadd.s32 s21, s4  }
0xa3: {  	[timem:s8], [sflag:s22] =	dma.local [hbm:s6], s20  }
0xa4: {  	_ =	swait.ge [sflag:s22], s20  }
0xa5: {  	s5 =	ssub.s32 $0x0, s20;
	[sflag:s22] =	ssyncset.done $0x0  }
0xa6: {  	[sflag:s22] =	ssyncadd.s32 s5;
	_ =	sdelay $0x1  }
0xa7: {  	s23 =	simm.s32 $0x1B8B  }
0xa8: {  	_ =	swait.ge [sflag:s23], $0x1  }
0xa9: {  	[sflag:s23] =	ssyncset.done $0x0  }
0xaa: {  	s25 =	simm.s32 $0x1B8E;
	s24 =	sld [smem:$0x3FFE];
	[sflag:s23] =	ssyncadd.s32 $0xFFFFFFFF  }
0xab: {  	s26 =	simm.s32 $execute0_lowered;
	[smem:$0x3FD2] =	sst s25  }
0xac: {  	s6 =	sshll.u32 s26, $0x1;
	_ =	strace $0x80000046;
	[dreg:$0x1] =	wrdreg $0xFFFFFFFF  }
0xad: {  	s28 =	simm.s32 $_size_execute0_lowered;
	s4 =	sadd.s32 s4, s6;
	[dreg:$0x0] =	wrdreg $0x0  }
0xae: {  	s6 =	sshll.u32 s28, $0x1;
	[dreg:$0x2] =	wrdreg s4  }
0xaf: {  	[dreg:$0x3] =	wrdreg s6  }
0xb0: {  	[dreg:$0x4] =	wrdreg $0xC0  }
0xb1: {  	_ =	task [dreg:s8], $0x5FFFF  }
0xb2: {  	[dreg:$0x1] =	wrdreg $0xFFFFFFFF  }
0xb3: {  	[dreg:$0x0] =	wrdreg $0x60  }
0xb4: {  	[dreg:$0x2] =	wrdreg s15  }
0xb5: {  	[dreg:$0x3] =	wrdreg s24  }
0xb6: {  	[dreg:$0x4] =	wrdreg s16  }
0xb7: {  	[dreg:$0x5] =	wrdreg $0x9  }
0xb8: {  	_ =	task.clear_ibuf [dreg:s8], $0x6FFFF;
	_ =	strace $0x90000046  }
0xb9: {  	s29 =	simm.s32 $0x9;
	_ =	strace $0x80000048  }
0xba: {  	_ =	swait.ge [sflag:s29], $0x1  }
0xbb: {  	[sflag:s29] =	ssyncadd.s32 $0xFFFFFFFF  }
0xbc: {  	_ =	strace $0x90000048  }
0xbd: {  	_ =	sfence  }
0xbe: {  	s30 =	sld [smem:$0x0];
	_ =	sdelay $0x2  }
0xbf: {  	s31 =	sshll.u32 s1, $0xD;
	s1 =	sshrl.u32 s1, $0x2  }
0xc0: {  	s3 =	sand.u32 $0x4000, s31;
	s1 =	sadd.s32 s1, s30  }
0xc1: {  	s0 =	sor.u32 s3, s0;
	s1 =	sshll.u32 s1, $0x11  }
0xc2: {  	s0 =	sor.u32 s1, s0  }
0xc3: {  	s0 =	sadd.s32 $0x8F2B, s0  }
0xc4: {  	[sflag:s0] =	ssyncadd.remote.s32 $0x1  }
0xc5: {  	_ =	sfence.sel $0xFFFF  }
0xc6: {  	[dreg:$0x0] =	wrdreg $0xFFFFFFFF;
	(pc) =	sbr.abs _section_cstart, $3  }
0xc7: {  	[dreg:$0x1] =	wrdreg $0xFFFFFFFF  }
0xc8: {  	_ =	task.clear_ibuf [dreg:s8], $0x2FFFF;
	_ =	strace $0x9FFFFFFF  }
0xc9: {  	(tm) =	ssettm $0x7FFFFFFF  }
tec
execute0_lowered:
.L_overlay_start_1:
0x0: {  	(tag) =	ssettag $0x1  }
0x1: {  	s1 =	rddreg [dreg:$0x0]  }
0x2: {  	s0 =	rddreg [dreg:$0x1]  }
0x3: {  	s2 =	rddreg [dreg:$0x2];
	s3 =	srdreg.scid  }
0x4: {  	s5 =	stileid.u32;
	s24 =	simm.s32 $0x80;
	s25 =	simm.s32 $0x100  }
0x5: {  	s26 =	simm.s32 $0x180;
	s28 =	simm.s32 $0x4A00;
	s29 =	simm.s32 $0x5200  }
0x6: {  	s30 =	simm.s32 $0x5A00;
	s31 =	simm.s32 $0x6200;
	s9 =	simm.s32 $0x9200  }
0x7: {  	s10 =	simm.s32 $0x9A00;
	s4 =	sand.u32 $0x1, s3;
	s3 =	simm.s32 $0x0  }
0x8: {  	s11 =	simm.s32 $0xA200;
	s5 =	sshll.u32 s5, $0xA;
	[smem:$0x7FF] =	sst s3  }
0x9: {  	s6 =	sshll.u32 s4, $0x9;
	_ =	strace $0x80000047;
	[dreg:$0xc] =	wrdreg s24  }
0xa: {  	s4 =	ssub.s32 $0x2, s4;
	s5 =	sor.u32 s6, s5;
	[dreg:$0xd] =	wrdreg s25  }
0xb: {  	s21 =	sshrl.u32 s4, $0x1;
	[dreg:$0xe] =	wrdreg s26;
	s24 =	simm.s32 $0x3200  }
0xc: {  	s25 =	simm.s32 $0x3A00;
	s26 =	simm.s32 $0x4200;
	s6 =	sshrl.u32 s5, $0x3  }
0xd: {  	s7 =	sshll.u32 s5, $0x5;
	s8 =	sor.u32 $0x80, s5;
	s17 =	sor.u32 $0x100, s5  }
0xe: {  	s5 =	sor.u32 $0x180, s5;
	s23 =	ssub.s32 s4, s21;
	s21 =	simm.s32 $0x2A00  }
0xf: {  	s6 =	sadd.s32 s0, s6;
	s12 =	sadd.s32 s2, s7;
	s13 =	sshrl.u32 s8, $0x3  }
0x10: {  	s15 =	sshll.u32 s8, $0x5;
	s18 =	sshrl.u32 s17, $0x3;
	s7 =	sshll.u32 s17, $0x5  }
0x11: {  	s20 =	sshrl.u32 s5, $0x3;
	s5 =	sshll.u32 s5, $0x5;
	s4 =	smax.u32 s23, $0x1  }
0x12: {  	s23 =	simm.s32 $0x200;
	s17 =	simm.s32 $0xA00;
	[dreg:$0x4] =	wrdreg s6  }
0x13: {  	s8 =	simm.s32 $0x8A00;
	[dreg:$0x5] =	wrdreg s12;
	s14 =	sadd.s32 s0, s13  }
0x14: {  	s16 =	sadd.s32 s2, s15;
	s6 =	sadd.s32 s0, s18;
	[dreg:$0x6] =	wrdreg s14  }
0x15: {  	s19 =	sadd.s32 s2, s7;
	s0 =	sadd.s32 s0, s20;
	[dreg:$0x7] =	wrdreg s16  }
0x16: {  	s22 =	sadd.s32 s2, s5;
	s5 =	simm.s32 $0x3;
	[dreg:$0x8] =	wrdreg s6  }
0x17: {  	s13 =	simm.s32 $0x2;
	s18 =	simm.s32 $0x1200;
	[dreg:$0x9] =	wrdreg s19  }
0x18: {  	v2 =	vlaneseq.u32;
	s20 =	simm.s32 $0x2200;
	s7 =	simm.s32 $0x7A00;
	[dreg:$0xa] =	wrdreg s0  }
0x19: {  	vm0 =	vmmov $0xffff;
	v1 =	vshrl.u32 v2, $0x3;
	s12 =	simm.s32 $0xAA00;
	[dreg:$0xb] =	wrdreg s22;
	s22 =	simm.s32 $0x1  }
0x1a: {  	v0 =	vand.u32 $0x7, v2;
	v2 =	vor.u32 $0x8, v2;
	v1 =	vmul.u32 $0x8, v1;
	s19 =	simm.s32 $0x1A00;
	s6 =	simm.s32 $0x6A00;
	s0 =	simm.s32 $0x8200  }
.LBB2_1:
0x1b: {  	s14 =	rddreg [dreg:$0x4]  }
0x1c: {  	[tilespmem:s3], [sflag:$0x3] =	stream.linear.gather [hbm4b:s14+s3], $0x80, $0x38;
	[tilespmem:$0x10200] =	vst v63  }
0x1d: {  	_ =	swait.ge [sflag:s5], $0x80  }
0x1e: {  	[sflag:s5] =	ssyncset.done $0x0  }
0x1f: {  	[sflag:s5] =	ssyncadd.s32 $0xFFFFFF80  }
0x20: {  	v3 =	vld [tilespmem:$0x0];
	_ =	sdelay $0x4  }
0x21: {  	v4 =	vshll.u32 v3, $0x1  }
0x22: {  	v3 =	vand.u32 $0x7, v3;
	v4 =	vand.u32 $0xFFFFFFF0, v4  }
0x23: {  	v3 =	vor.u32 v3, v4  }
0x24: {  	v4 =	vperm.xlane v3, v0;
	_ =	sdelay $0x1  }
0x25: {  	v3 =	vperm.xlane v3, v2;
	v4 =	vadd.s32 v1, v4;
	_ =	sdelay $0x1  }
0x26: {  	v3 =	vadd.s32 v1, v3;
	_ =	sdelay $0x2  }
0x27: {  	[tilespmem:s23], [sflag:$0x1] =	stream.indirect_vreg.gather [hbm4b:s1+s3], $0x80, v4, vm0, $0xb8;
	[tilespmem:$0x10200] =	vst v63  }
0x28: {  	_ = 	snop  }
0x29: {  	[tilespmem:s17], [sflag:$0x1] =	stream.indirect_vreg.gather [hbm4b:s1+s3], $0x80, v3, vm0, $0xb8;
	[tilespmem:$0x10200] =	vst v63  }
0x2a: {  	v3 =	vld [tilespmem:$0x10];
	_ =	sdelay $0x4  }
0x2b: {  	v33 =	vshll.u32 v3, $0x1  }
0x2c: {  	v3 =	vand.u32 $0x7, v3;
	v4 =	vand.u32 $0xFFFFFFF0, v33  }
0x2d: {  	v3 =	vor.u32 v3, v4  }
0x2e: {  	v4 =	vperm.xlane v3, v0;
	_ =	sdelay $0x1  }
0x2f: {  	v3 =	vperm.xlane v3, v2;
	v4 =	vadd.s32 v1, v4;
	_ =	sdelay $0x1  }
0x30: {  	v3 =	vadd.s32 v1, v3;
	_ =	sdelay $0x2  }
0x31: {  	[tilespmem:s18], [sflag:$0x1] =	stream.indirect_vreg.gather [hbm4b:s1+s3], $0x80, v4, vm0, $0xb8;
	[tilespmem:$0x10200] =	vst v63  }
0x32: {  	_ = 	snop  }
0x33: {  	[tilespmem:s19], [sflag:$0x1] =	stream.indirect_vreg.gather [hbm4b:s1+s3], $0x80, v3, vm0, $0xb8;
	[tilespmem:$0x10200] =	vst v63  }
0x34: {  	v3 =	vld [tilespmem:$0x20];
	_ =	sdelay $0x4  }
0x35: {  	v34 =	vshll.u32 v3, $0x1  }
0x36: {  	v3 =	vand.u32 $0x7, v3;
	v4 =	vand.u32 $0xFFFFFFF0, v34  }
0x37: {  	v3 =	vor.u32 v3, v4  }
0x38: {  	v4 =	vperm.xlane v3, v0;
	_ =	sdelay $0x1  }
0x39: {  	v3 =	vperm.xlane v3, v2;
	v4 =	vadd.s32 v1, v4;
	_ =	sdelay $0x1  }
0x3a: {  	v3 =	vadd.s32 v1, v3;
	_ =	sdelay $0x2  }
0x3b: {  	[tilespmem:s20], [sflag:$0x1] =	stream.indirect_vreg.gather [hbm4b:s1+s3], $0x80, v4, vm0, $0xb8;
	[tilespmem:$0x10200] =	vst v63  }
0x3c: {  	_ = 	snop  }
0x3d: {  	[tilespmem:s21], [sflag:$0x1] =	stream.indirect_vreg.gather [hbm4b:s1+s3], $0x80, v3, vm0, $0xb8;
	[tilespmem:$0x10200] =	vst v63  }
0x3e: {  	v3 =	vld [tilespmem:$0x30];
	_ =	sdelay $0x4  }
0x3f: {  	v35 =	vshll.u32 v3, $0x1  }
0x40: {  	v3 =	vand.u32 $0x7, v3;
	v4 =	vand.u32 $0xFFFFFFF0, v35  }
0x41: {  	v3 =	vor.u32 v3, v4  }
0x42: {  	v4 =	vperm.xlane v3, v0;
	_ =	sdelay $0x1  }
0x43: {  	v3 =	vperm.xlane v3, v2;
	v4 =	vadd.s32 v1, v4;
	_ =	sdelay $0x1  }
0x44: {  	v3 =	vadd.s32 v1, v3;
	_ =	sdelay $0x2  }
0x45: {  	[tilespmem:s24], [sflag:$0x1] =	stream.indirect_vreg.gather [hbm4b:s1+s3], $0x80, v4, vm0, $0xb8;
	[tilespmem:$0x10200] =	vst v63  }
0x46: {  	_ = 	snop  }
0x47: {  	[tilespmem:s25], [sflag:$0x1] =	stream.indirect_vreg.gather [hbm4b:s1+s3], $0x80, v3, vm0, $0xb8;
	[tilespmem:$0x10200] =	vst v63  }
0x48: {  	v3 =	vld [tilespmem:$0x40];
	_ =	sdelay $0x4  }
0x49: {  	v36 =	vshll.u32 v3, $0x1  }
0x4a: {  	v3 =	vand.u32 $0x7, v3;
	v4 =	vand.u32 $0xFFFFFFF0, v36  }
0x4b: {  	v3 =	vor.u32 v3, v4  }
0x4c: {  	v4 =	vperm.xlane v3, v0;
	_ =	sdelay $0x1  }
0x4d: {  	v3 =	vperm.xlane v3, v2;
	v4 =	vadd.s32 v1, v4;
	_ =	sdelay $0x1  }
0x4e: {  	v3 =	vadd.s32 v1, v3;
	_ =	sdelay $0x2  }
0x4f: {  	[tilespmem:s26], [sflag:$0x1] =	stream.indirect_vreg.gather [hbm4b:s1+s3], $0x80, v4, vm0, $0xb8;
	[tilespmem:$0x10200] =	vst v63  }
0x50: {  	_ = 	snop  }
0x51: {  	[tilespmem:s28], [sflag:$0x1] =	stream.indirect_vreg.gather [hbm4b:s1+s3], $0x80, v3, vm0, $0xb8;
	[tilespmem:$0x10200] =	vst v63  }
0x52: {  	v3 =	vld [tilespmem:$0x50];
	_ =	sdelay $0x4  }
0x53: {  	v37 =	vshll.u32 v3, $0x1  }
0x54: {  	v3 =	vand.u32 $0x7, v3;
	v4 =	vand.u32 $0xFFFFFFF0, v37  }
0x55: {  	v3 =	vor.u32 v3, v4  }
0x56: {  	v4 =	vperm.xlane v3, v0;
	_ =	sdelay $0x1  }
0x57: {  	v3 =	vperm.xlane v3, v2;
	v4 =	vadd.s32 v1, v4;
	_ =	sdelay $0x1  }
0x58: {  	v3 =	vadd.s32 v1, v3;
	_ =	sdelay $0x2  }
0x59: {  	[tilespmem:s29], [sflag:$0x1] =	stream.indirect_vreg.gather [hbm4b:s1+s3], $0x80, v4, vm0, $0xb8;
	[tilespmem:$0x10200] =	vst v63  }
0x5a: {  	_ = 	snop  }
0x5b: {  	[tilespmem:s30], [sflag:$0x1] =	stream.indirect_vreg.gather [hbm4b:s1+s3], $0x80, v3, vm0, $0xb8;
	[tilespmem:$0x10200] =	vst v63  }
0x5c: {  	v3 =	vld [tilespmem:$0x60];
	_ =	sdelay $0x4  }
0x5d: {  	v38 =	vshll.u32 v3, $0x1  }
0x5e: {  	v3 =	vand.u32 $0x7, v3;
	v4 =	vand.u32 $0xFFFFFFF0, v38  }
0x5f: {  	v3 =	vor.u32 v3, v4  }
0x60: {  	v4 =	vperm.xlane v3, v0;
	_ =	sdelay $0x1  }
0x61: {  	v3 =	vperm.xlane v3, v2;
	v4 =	vadd.s32 v1, v4;
	_ =	sdelay $0x1  }
0x62: {  	v3 =	vadd.s32 v1, v3;
	_ =	sdelay $0x2  }
0x63: {  	[tilespmem:s31], [sflag:$0x1] =	stream.indirect_vreg.gather [hbm4b:s1+s3], $0x80, v4, vm0, $0xb8;
	[tilespmem:$0x10200] =	vst v63  }
0x64: {  	_ = 	snop  }
0x65: {  	[tilespmem:s6], [sflag:$0x1] =	stream.indirect_vreg.gather [hbm4b:s1+s3], $0x80, v3, vm0, $0xb8;
	[tilespmem:$0x10200] =	vst v63  }
0x66: {  	v3 =	vld [tilespmem:$0x70];
	_ =	sdelay $0x4  }
0x67: {  	v39 =	vshll.u32 v3, $0x1  }
0x68: {  	v3 =	vand.u32 $0x7, v3;
	v4 =	vand.u32 $0xFFFFFFF0, v39  }
0x69: {  	v3 =	vor.u32 v3, v4  }
0x6a: {  	v4 =	vperm.xlane v3, v0;
	_ =	sdelay $0x1  }
0x6b: {  	v3 =	vperm.xlane v3, v2;
	v4 =	vadd.s32 v1, v4;
	_ =	sdelay $0x1  }
0x6c: {  	v3 =	vadd.s32 v1, v3;
	_ =	sdelay $0x1  }
0x6d: {  	s2 =	simm.s32 $0x7200  }
0x6e: {  	[tilespmem:s2], [sflag:$0x1] =	stream.indirect_vreg.gather [hbm4b:s1+s3], $0x80, v4, vm0, $0xb8;
	[tilespmem:$0x10200] =	vst v63  }
0x6f: {  	_ = 	snop  }
0x70: {  	[tilespmem:s7], [sflag:$0x1] =	stream.indirect_vreg.gather [hbm4b:s1+s3], $0x80, v3, vm0, $0xb8;
	[tilespmem:$0x10200] =	vst v63  }
0x71: {  	_ =	swait.ge [sflag:s22], $0x8000  }
0x72: {  	s14 =	rddreg [dreg:$0x5];
	[sflag:s22] =	ssyncset.done $0x0  }
0x73: {  	s15 =	rddreg [dreg:$0x6];
	[sflag:s22] =	ssyncadd.s32 $0xFFFF8000  }
0x74: {  	[hbm4b:s14+s3] =	stream.linear.scatter [tilespmem:s23], [sflag:$0x2], $0x8000, $0x38;
	[tilespmem:$0x10200] =	vst v63  }
0x75: {  	s16 =	rddreg [dreg:$0xc]  }
0x76: {  	[tilespmem:s16], [sflag:$0x3] =	stream.linear.gather [hbm4b:s15+s3], $0x80, $0x38;
	[tilespmem:$0x10200] =	vst v63  }
0x77: {  	_ =	swait.ge [sflag:s5], $0x80  }
0x78: {  	[sflag:s5] =	ssyncset.done $0x0  }
0x79: {  	[sflag:s5] =	ssyncadd.s32 $0xFFFFFF80  }
0x7a: {  	v3 =	vld [tilespmem:$0x80];
	_ =	sdelay $0x4  }
0x7b: {  	v40 =	vshll.u32 v3, $0x1  }
0x7c: {  	v3 =	vand.u32 $0x7, v3;
	v4 =	vand.u32 $0xFFFFFFF0, v40  }
0x7d: {  	v3 =	vor.u32 v3, v4  }
0x7e: {  	v4 =	vperm.xlane v3, v0;
	_ =	sdelay $0x1  }
0x7f: {  	v3 =	vperm.xlane v3, v2;
	v4 =	vadd.s32 v1, v4;
	_ =	sdelay $0x1  }
0x80: {  	v3 =	vadd.s32 v1, v3;
	_ =	sdelay $0x2  }
0x81: {  	[tilespmem:s0], [sflag:$0x1] =	stream.indirect_vreg.gather [hbm4b:s1+s3], $0x80, v4, vm0, $0xb8;
	[tilespmem:$0x10200] =	vst v63  }
0x82: {  	_ = 	snop  }
0x83: {  	[tilespmem:s8], [sflag:$0x1] =	stream.indirect_vreg.gather [hbm4b:s1+s3], $0x80, v3, vm0, $0xb8;
	[tilespmem:$0x10200] =	vst v63  }
0x84: {  	v3 =	vld [tilespmem:$0x90];
	_ =	sdelay $0x4  }
0x85: {  	v41 =	vshll.u32 v3, $0x1  }
0x86: {  	v3 =	vand.u32 $0x7, v3;
	v4 =	vand.u32 $0xFFFFFFF0, v41  }
0x87: {  	v3 =	vor.u32 v3, v4  }
0x88: {  	v4 =	vperm.xlane v3, v0;
	_ =	sdelay $0x1  }
0x89: {  	v3 =	vperm.xlane v3, v2;
	v4 =	vadd.s32 v1, v4;
	_ =	sdelay $0x1  }
0x8a: {  	v3 =	vadd.s32 v1, v3;
	_ =	sdelay $0x2  }
0x8b: {  	[tilespmem:s9], [sflag:$0x1] =	stream.indirect_vreg.gather [hbm4b:s1+s3], $0x80, v4, vm0, $0xb8;
	[tilespmem:$0x10200] =	vst v63  }
0x8c: {  	_ = 	snop  }
0x8d: {  	[tilespmem:s10], [sflag:$0x1] =	stream.indirect_vreg.gather [hbm4b:s1+s3], $0x80, v3, vm0, $0xb8;
	[tilespmem:$0x10200] =	vst v63  }
0x8e: {  	v3 =	vld [tilespmem:$0xA0];
	_ =	sdelay $0x4  }
0x8f: {  	v42 =	vshll.u32 v3, $0x1  }
0x90: {  	v3 =	vand.u32 $0x7, v3;
	v4 =	vand.u32 $0xFFFFFFF0, v42  }
0x91: {  	v3 =	vor.u32 v3, v4  }
0x92: {  	v4 =	vperm.xlane v3, v0;
	_ =	sdelay $0x1  }
0x93: {  	v3 =	vperm.xlane v3, v2;
	v4 =	vadd.s32 v1, v4;
	_ =	sdelay $0x1  }
0x94: {  	v3 =	vadd.s32 v1, v3;
	_ =	sdelay $0x2  }
0x95: {  	[tilespmem:s11], [sflag:$0x1] =	stream.indirect_vreg.gather [hbm4b:s1+s3], $0x80, v4, vm0, $0xb8;
	[tilespmem:$0x10200] =	vst v63  }
0x96: {  	_ = 	snop  }
0x97: {  	[tilespmem:s12], [sflag:$0x1] =	stream.indirect_vreg.gather [hbm4b:s1+s3], $0x80, v3, vm0, $0xb8;
	[tilespmem:$0x10200] =	vst v63  }
0x98: {  	v3 =	vld [tilespmem:$0xB0];
	_ =	sdelay $0x4  }
0x99: {  	v43 =	vshll.u32 v3, $0x1  }
0x9a: {  	v3 =	vand.u32 $0x7, v3;
	v4 =	vand.u32 $0xFFFFFFF0, v43  }
0x9b: {  	v3 =	vor.u32 v3, v4  }
0x9c: {  	v4 =	vperm.xlane v3, v0;
	_ =	sdelay $0x1  }
0x9d: {  	v3 =	vperm.xlane v3, v2;
	v4 =	vadd.s32 v1, v4;
	_ =	sdelay $0x1  }
0x9e: {  	v3 =	vadd.s32 v1, v3;
	_ =	sdelay $0x1  }
0x9f: {  	s15 =	simm.s32 $0xB200  }
0xa0: {  	[tilespmem:s15], [sflag:$0x1] =	stream.indirect_vreg.gather [hbm4b:s1+s3], $0x80, v4, vm0, $0xb8;
	[tilespmem:$0x10200] =	vst v63  }
0xa1: {  	s16 =	simm.s32 $0xBA00  }
0xa2: {  	[tilespmem:s16], [sflag:$0x1] =	stream.indirect_vreg.gather [hbm4b:s1+s3], $0x80, v3, vm0, $0xb8;
	[tilespmem:$0x10200] =	vst v63  }
0xa3: {  	v3 =	vld [tilespmem:$0xC0];
	_ =	sdelay $0x4  }
0xa4: {  	v44 =	vshll.u32 v3, $0x1  }
0xa5: {  	v3 =	vand.u32 $0x7, v3;
	v4 =	vand.u32 $0xFFFFFFF0, v44  }
0xa6: {  	v3 =	vor.u32 v3, v4  }
0xa7: {  	v4 =	vperm.xlane v3, v0;
	_ =	sdelay $0x1  }
0xa8: {  	v3 =	vperm.xlane v3, v2;
	v4 =	vadd.s32 v1, v4;
	_ =	sdelay $0x1  }
0xa9: {  	v3 =	vadd.s32 v1, v3;
	_ =	sdelay $0x1  }
0xaa: {  	s15 =	simm.s32 $0xC200  }
0xab: {  	[tilespmem:s15], [sflag:$0x1] =	stream.indirect_vreg.gather [hbm4b:s1+s3], $0x80, v4, vm0, $0xb8;
	[tilespmem:$0x10200] =	vst v63  }
0xac: {  	s16 =	simm.s32 $0xCA00  }
0xad: {  	[tilespmem:s16], [sflag:$0x1] =	stream.indirect_vreg.gather [hbm4b:s1+s3], $0x80, v3, vm0, $0xb8;
	[tilespmem:$0x10200] =	vst v63  }
0xae: {  	v3 =	vld [tilespmem:$0xD0];
	_ =	sdelay $0x4  }
0xaf: {  	v45 =	vshll.u32 v3, $0x1  }
0xb0: {  	v3 =	vand.u32 $0x7, v3;
	v4 =	vand.u32 $0xFFFFFFF0, v45  }
0xb1: {  	v3 =	vor.u32 v3, v4  }
0xb2: {  	v4 =	vperm.xlane v3, v0;
	_ =	sdelay $0x1  }
0xb3: {  	v3 =	vperm.xlane v3, v2;
	v4 =	vadd.s32 v1, v4;
	_ =	sdelay $0x1  }
0xb4: {  	v3 =	vadd.s32 v1, v3;
	_ =	sdelay $0x1  }
0xb5: {  	s15 =	simm.s32 $0xD200  }
0xb6: {  	[tilespmem:s15], [sflag:$0x1] =	stream.indirect_vreg.gather [hbm4b:s1+s3], $0x80, v4, vm0, $0xb8;
	[tilespmem:$0x10200] =	vst v63  }
0xb7: {  	s16 =	simm.s32 $0xDA00  }
0xb8: {  	[tilespmem:s16], [sflag:$0x1] =	stream.indirect_vreg.gather [hbm4b:s1+s3], $0x80, v3, vm0, $0xb8;
	[tilespmem:$0x10200] =	vst v63  }
0xb9: {  	v3 =	vld [tilespmem:$0xE0];
	_ =	sdelay $0x4  }
0xba: {  	v46 =	vshll.u32 v3, $0x1  }
0xbb: {  	v3 =	vand.u32 $0x7, v3;
	v4 =	vand.u32 $0xFFFFFFF0, v46  }
0xbc: {  	v3 =	vor.u32 v3, v4  }
0xbd: {  	v4 =	vperm.xlane v3, v0;
	_ =	sdelay $0x1  }
0xbe: {  	v3 =	vperm.xlane v3, v2;
	v4 =	vadd.s32 v1, v4;
	_ =	sdelay $0x1  }
0xbf: {  	v3 =	vadd.s32 v1, v3;
	_ =	sdelay $0x1  }
0xc0: {  	s15 =	simm.s32 $0xE200  }
0xc1: {  	[tilespmem:s15], [sflag:$0x1] =	stream.indirect_vreg.gather [hbm4b:s1+s3], $0x80, v4, vm0, $0xb8;
	[tilespmem:$0x10200] =	vst v63  }
0xc2: {  	s16 =	simm.s32 $0xEA00  }
0xc3: {  	[tilespmem:s16], [sflag:$0x1] =	stream.indirect_vreg.gather [hbm4b:s1+s3], $0x80, v3, vm0, $0xb8;
	[tilespmem:$0x10200] =	vst v63  }
0xc4: {  	v3 =	vld [tilespmem:$0xF0];
	_ =	sdelay $0x4  }
0xc5: {  	v47 =	vshll.u32 v3, $0x1  }
0xc6: {  	v3 =	vand.u32 $0x7, v3;
	v4 =	vand.u32 $0xFFFFFFF0, v47  }
0xc7: {  	v3 =	vor.u32 v3, v4  }
0xc8: {  	v4 =	vperm.xlane v3, v0;
	_ =	sdelay $0x1  }
0xc9: {  	v3 =	vperm.xlane v3, v2;
	v4 =	vadd.s32 v1, v4;
	_ =	sdelay $0x1  }
0xca: {  	v3 =	vadd.s32 v1, v3;
	_ =	sdelay $0x1  }
0xcb: {  	s15 =	simm.s32 $0xF200  }
0xcc: {  	[tilespmem:s15], [sflag:$0x1] =	stream.indirect_vreg.gather [hbm4b:s1+s3], $0x80, v4, vm0, $0xb8;
	[tilespmem:$0x10200] =	vst v63  }
0xcd: {  	s16 =	simm.s32 $0xFA00  }
0xce: {  	[tilespmem:s16], [sflag:$0x1] =	stream.indirect_vreg.gather [hbm4b:s1+s3], $0x80, v3, vm0, $0xb8;
	[tilespmem:$0x10200] =	vst v63  }
0xcf: {  	_ =	swait.ge [sflag:s22], $0x8000  }
0xd0: {  	s14 =	rddreg [dreg:$0x7];
	[sflag:s22] =	ssyncset.done $0x0  }
0xd1: {  	s15 =	rddreg [dreg:$0x8];
	[sflag:s22] =	ssyncadd.s32 $0xFFFF8000  }
0xd2: {  	[hbm4b:s14+s3] =	stream.linear.scatter [tilespmem:s0], [sflag:$0x2], $0x8000, $0x38;
	[tilespmem:$0x10200] =	vst v63  }
0xd3: {  	s16 =	rddreg [dreg:$0xd]  }
0xd4: {  	[tilespmem:s16], [sflag:$0x3] =	stream.linear.gather [hbm4b:s15+s3], $0x80, $0x38;
	[tilespmem:$0x10200] =	vst v63  }
0xd5: {  	_ =	swait.ge [sflag:s5], $0x80  }
0xd6: {  	[sflag:s5] =	ssyncset.done $0x0  }
0xd7: {  	[sflag:s5] =	ssyncadd.s32 $0xFFFFFF80  }
0xd8: {  	_ =	swait.ge [sflag:s13], $0x8000  }
0xd9: {  	[sflag:s13] =	ssyncset.done $0x0  }
0xda: {  	[sflag:s13] =	ssyncadd.s32 $0xFFFF8000  }
0xdb: {  	v3 =	vld [tilespmem:$0x100];
	_ =	sdelay $0x4  }
0xdc: {  	v48 =	vshll.u32 v3, $0x1  }
0xdd: {  	v3 =	vand.u32 $0x7, v3;
	v4 =	vand.u32 $0xFFFFFFF0, v48  }
0xde: {  	v3 =	vor.u32 v3, v4  }
0xdf: {  	v4 =	vperm.xlane v3, v0;
	_ =	sdelay $0x1  }
0xe0: {  	v3 =	vperm.xlane v3, v2;
	v4 =	vadd.s32 v1, v4;
	_ =	sdelay $0x1  }
0xe1: {  	v3 =	vadd.s32 v1, v3;
	_ =	sdelay $0x2  }
0xe2: {  	[tilespmem:s23], [sflag:$0x1] =	stream.indirect_vreg.gather [hbm4b:s1+s3], $0x80, v4, vm0, $0xb8;
	[tilespmem:$0x10200] =	vst v63  }
0xe3: {  	_ = 	snop  }
0xe4: {  	[tilespmem:s17], [sflag:$0x1] =	stream.indirect_vreg.gather [hbm4b:s1+s3], $0x80, v3, vm0, $0xb8;
	[tilespmem:$0x10200] =	vst v63  }
0xe5: {  	v3 =	vld [tilespmem:$0x110];
	_ =	sdelay $0x4  }
0xe6: {  	v49 =	vshll.u32 v3, $0x1  }
0xe7: {  	v3 =	vand.u32 $0x7, v3;
	v4 =	vand.u32 $0xFFFFFFF0, v49  }
0xe8: {  	v3 =	vor.u32 v3, v4  }
0xe9: {  	v4 =	vperm.xlane v3, v0;
	_ =	sdelay $0x1  }
0xea: {  	v3 =	vperm.xlane v3, v2;
	v4 =	vadd.s32 v1, v4;
	_ =	sdelay $0x1  }
0xeb: {  	v3 =	vadd.s32 v1, v3;
	_ =	sdelay $0x2  }
0xec: {  	[tilespmem:s18], [sflag:$0x1] =	stream.indirect_vreg.gather [hbm4b:s1+s3], $0x80, v4, vm0, $0xb8;
	[tilespmem:$0x10200] =	vst v63  }
0xed: {  	_ = 	snop  }
0xee: {  	[tilespmem:s19], [sflag:$0x1] =	stream.indirect_vreg.gather [hbm4b:s1+s3], $0x80, v3, vm0, $0xb8;
	[tilespmem:$0x10200] =	vst v63  }
0xef: {  	v3 =	vld [tilespmem:$0x120];
	_ =	sdelay $0x4  }
0xf0: {  	v50 =	vshll.u32 v3, $0x1  }
0xf1: {  	v3 =	vand.u32 $0x7, v3;
	v4 =	vand.u32 $0xFFFFFFF0, v50  }
0xf2: {  	v3 =	vor.u32 v3, v4  }
0xf3: {  	v4 =	vperm.xlane v3, v0;
	_ =	sdelay $0x1  }
0xf4: {  	v3 =	vperm.xlane v3, v2;
	v4 =	vadd.s32 v1, v4;
	_ =	sdelay $0x1  }
0xf5: {  	v3 =	vadd.s32 v1, v3;
	_ =	sdelay $0x2  }
0xf6: {  	[tilespmem:s20], [sflag:$0x1] =	stream.indirect_vreg.gather [hbm4b:s1+s3], $0x80, v4, vm0, $0xb8;
	[tilespmem:$0x10200] =	vst v63  }
0xf7: {  	_ = 	snop  }
0xf8: {  	[tilespmem:s21], [sflag:$0x1] =	stream.indirect_vreg.gather [hbm4b:s1+s3], $0x80, v3, vm0, $0xb8;
	[tilespmem:$0x10200] =	vst v63  }
0xf9: {  	v3 =	vld [tilespmem:$0x130];
	_ =	sdelay $0x4  }
0xfa: {  	v51 =	vshll.u32 v3, $0x1  }
0xfb: {  	v3 =	vand.u32 $0x7, v3;
	v4 =	vand.u32 $0xFFFFFFF0, v51  }
0xfc: {  	v3 =	vor.u32 v3, v4  }
0xfd: {  	v4 =	vperm.xlane v3, v0;
	_ =	sdelay $0x1  }
0xfe: {  	v3 =	vperm.xlane v3, v2;
	v4 =	vadd.s32 v1, v4;
	_ =	sdelay $0x1  }
0xff: {  	v3 =	vadd.s32 v1, v3;
	_ =	sdelay $0x2  }
0x100: {  	[tilespmem:s24], [sflag:$0x1] =	stream.indirect_vreg.gather [hbm4b:s1+s3], $0x80, v4, vm0, $0xb8;
	[tilespmem:$0x10200] =	vst v63  }
0x101: {  	_ = 	snop  }
0x102: {  	[tilespmem:s25], [sflag:$0x1] =	stream.indirect_vreg.gather [hbm4b:s1+s3], $0x80, v3, vm0, $0xb8;
	[tilespmem:$0x10200] =	vst v63  }
0x103: {  	v3 =	vld [tilespmem:$0x140];
	_ =	sdelay $0x4  }
0x104: {  	v52 =	vshll.u32 v3, $0x1  }
0x105: {  	v3 =	vand.u32 $0x7, v3;
	v4 =	vand.u32 $0xFFFFFFF0, v52  }
0x106: {  	v3 =	vor.u32 v3, v4  }
0x107: {  	v4 =	vperm.xlane v3, v0;
	_ =	sdelay $0x1  }
0x108: {  	v3 =	vperm.xlane v3, v2;
	v4 =	vadd.s32 v1, v4;
	_ =	sdelay $0x1  }
0x109: {  	v3 =	vadd.s32 v1, v3;
	_ =	sdelay $0x2  }
0x10a: {  	[tilespmem:s26], [sflag:$0x1] =	stream.indirect_vreg.gather [hbm4b:s1+s3], $0x80, v4, vm0, $0xb8;
	[tilespmem:$0x10200] =	vst v63  }
0x10b: {  	_ = 	snop  }
0x10c: {  	[tilespmem:s28], [sflag:$0x1] =	stream.indirect_vreg.gather [hbm4b:s1+s3], $0x80, v3, vm0, $0xb8;
	[tilespmem:$0x10200] =	vst v63  }
0x10d: {  	v3 =	vld [tilespmem:$0x150];
	_ =	sdelay $0x4  }
0x10e: {  	v53 =	vshll.u32 v3, $0x1  }
0x10f: {  	v3 =	vand.u32 $0x7, v3;
	v4 =	vand.u32 $0xFFFFFFF0, v53  }
0x110: {  	v3 =	vor.u32 v3, v4  }
0x111: {  	v4 =	vperm.xlane v3, v0;
	_ =	sdelay $0x1  }
0x112: {  	v3 =	vperm.xlane v3, v2;
	v4 =	vadd.s32 v1, v4;
	_ =	sdelay $0x1  }
0x113: {  	v3 =	vadd.s32 v1, v3;
	_ =	sdelay $0x2  }
0x114: {  	[tilespmem:s29], [sflag:$0x1] =	stream.indirect_vreg.gather [hbm4b:s1+s3], $0x80, v4, vm0, $0xb8;
	[tilespmem:$0x10200] =	vst v63  }
0x115: {  	_ = 	snop  }
0x116: {  	[tilespmem:s30], [sflag:$0x1] =	stream.indirect_vreg.gather [hbm4b:s1+s3], $0x80, v3, vm0, $0xb8;
	[tilespmem:$0x10200] =	vst v63  }
0x117: {  	v3 =	vld [tilespmem:$0x160];
	_ =	sdelay $0x4  }
0x118: {  	v54 =	vshll.u32 v3, $0x1  }
0x119: {  	v3 =	vand.u32 $0x7, v3;
	v4 =	vand.u32 $0xFFFFFFF0, v54  }
0x11a: {  	v3 =	vor.u32 v3, v4  }
0x11b: {  	v4 =	vperm.xlane v3, v0;
	_ =	sdelay $0x1  }
0x11c: {  	v3 =	vperm.xlane v3, v2;
	v4 =	vadd.s32 v1, v4;
	_ =	sdelay $0x1  }
0x11d: {  	v3 =	vadd.s32 v1, v3;
	_ =	sdelay $0x2  }
0x11e: {  	[tilespmem:s31], [sflag:$0x1] =	stream.indirect_vreg.gather [hbm4b:s1+s3], $0x80, v4, vm0, $0xb8;
	[tilespmem:$0x10200] =	vst v63  }
0x11f: {  	_ = 	snop  }
0x120: {  	[tilespmem:s6], [sflag:$0x1] =	stream.indirect_vreg.gather [hbm4b:s1+s3], $0x80, v3, vm0, $0xb8;
	[tilespmem:$0x10200] =	vst v63  }
0x121: {  	v3 =	vld [tilespmem:$0x170];
	_ =	sdelay $0x4  }
0x122: {  	v55 =	vshll.u32 v3, $0x1  }
0x123: {  	v3 =	vand.u32 $0x7, v3;
	v4 =	vand.u32 $0xFFFFFFF0, v55  }
0x124: {  	v3 =	vor.u32 v3, v4  }
0x125: {  	v4 =	vperm.xlane v3, v0;
	_ =	sdelay $0x1  }
0x126: {  	v3 =	vperm.xlane v3, v2;
	v4 =	vadd.s32 v1, v4;
	_ =	sdelay $0x1  }
0x127: {  	v3 =	vadd.s32 v1, v3;
	_ =	sdelay $0x2  }
0x128: {  	[tilespmem:s2], [sflag:$0x1] =	stream.indirect_vreg.gather [hbm4b:s1+s3], $0x80, v4, vm0, $0xb8;
	[tilespmem:$0x10200] =	vst v63  }
0x129: {  	_ = 	snop  }
0x12a: {  	[tilespmem:s7], [sflag:$0x1] =	stream.indirect_vreg.gather [hbm4b:s1+s3], $0x80, v3, vm0, $0xb8;
	[tilespmem:$0x10200] =	vst v63  }
0x12b: {  	_ =	swait.ge [sflag:s22], $0x8000  }
0x12c: {  	s15 =	rddreg [dreg:$0x9];
	[sflag:s22] =	ssyncset.done $0x0  }
0x12d: {  	s16 =	rddreg [dreg:$0xa];
	[sflag:s22] =	ssyncadd.s32 $0xFFFF8000  }
0x12e: {  	[hbm4b:s15+s3] =	stream.linear.scatter [tilespmem:s23], [sflag:$0x2], $0x8000, $0x38;
	[tilespmem:$0x10200] =	vst v63  }
0x12f: {  	s2 =	rddreg [dreg:$0xe]  }
0x130: {  	[tilespmem:s2], [sflag:$0x3] =	stream.linear.gather [hbm4b:s16+s3], $0x80, $0x38;
	[tilespmem:$0x10200] =	vst v63  }
0x131: {  	_ =	swait.ge [sflag:s5], $0x80  }
0x132: {  	[sflag:s5] =	ssyncset.done $0x0  }
0x133: {  	[sflag:s5] =	ssyncadd.s32 $0xFFFFFF80  }
0x134: {  	_ =	swait.ge [sflag:s13], $0x8000  }
0x135: {  	[sflag:s13] =	ssyncset.done $0x0  }
0x136: {  	[sflag:s13] =	ssyncadd.s32 $0xFFFF8000  }
0x137: {  	v3 =	vld [tilespmem:$0x180];
	_ =	sdelay $0x4  }
0x138: {  	v56 =	vshll.u32 v3, $0x1  }
0x139: {  	v3 =	vand.u32 $0x7, v3;
	v4 =	vand.u32 $0xFFFFFFF0, v56  }
0x13a: {  	v3 =	vor.u32 v3, v4  }
0x13b: {  	v4 =	vperm.xlane v3, v0;
	_ =	sdelay $0x1  }
0x13c: {  	v3 =	vperm.xlane v3, v2;
	v4 =	vadd.s32 v1, v4;
	_ =	sdelay $0x1  }
0x13d: {  	v3 =	vadd.s32 v1, v3;
	_ =	sdelay $0x2  }
0x13e: {  	[tilespmem:s0], [sflag:$0x1] =	stream.indirect_vreg.gather [hbm4b:s1+s3], $0x80, v4, vm0, $0xb8;
	[tilespmem:$0x10200] =	vst v63  }
0x13f: {  	_ = 	snop  }
0x140: {  	[tilespmem:s8], [sflag:$0x1] =	stream.indirect_vreg.gather [hbm4b:s1+s3], $0x80, v3, vm0, $0xb8;
	[tilespmem:$0x10200] =	vst v63  }
0x141: {  	v3 =	vld [tilespmem:$0x190];
	_ =	sdelay $0x4  }
0x142: {  	v57 =	vshll.u32 v3, $0x1  }
0x143: {  	v3 =	vand.u32 $0x7, v3;
	v4 =	vand.u32 $0xFFFFFFF0, v57  }
0x144: {  	v3 =	vor.u32 v3, v4  }
0x145: {  	v4 =	vperm.xlane v3, v0;
	_ =	sdelay $0x1  }
0x146: {  	v3 =	vperm.xlane v3, v2;
	v4 =	vadd.s32 v1, v4;
	_ =	sdelay $0x1  }
0x147: {  	v3 =	vadd.s32 v1, v3;
	_ =	sdelay $0x2  }
0x148: {  	[tilespmem:s9], [sflag:$0x1] =	stream.indirect_vreg.gather [hbm4b:s1+s3], $0x80, v4, vm0, $0xb8;
	[tilespmem:$0x10200] =	vst v63  }
0x149: {  	_ = 	snop  }
0x14a: {  	[tilespmem:s10], [sflag:$0x1] =	stream.indirect_vreg.gather [hbm4b:s1+s3], $0x80, v3, vm0, $0xb8;
	[tilespmem:$0x10200] =	vst v63  }
0x14b: {  	v3 =	vld [tilespmem:$0x1A0];
	_ =	sdelay $0x4  }
0x14c: {  	v58 =	vshll.u32 v3, $0x1  }
0x14d: {  	v3 =	vand.u32 $0x7, v3;
	v4 =	vand.u32 $0xFFFFFFF0, v58  }
0x14e: {  	v3 =	vor.u32 v3, v4  }
0x14f: {  	v4 =	vperm.xlane v3, v0;
	_ =	sdelay $0x1  }
0x150: {  	v3 =	vperm.xlane v3, v2;
	v4 =	vadd.s32 v1, v4;
	_ =	sdelay $0x1  }
0x151: {  	v3 =	vadd.s32 v1, v3;
	_ =	sdelay $0x2  }
0x152: {  	[tilespmem:s11], [sflag:$0x1] =	stream.indirect_vreg.gather [hbm4b:s1+s3], $0x80, v4, vm0, $0xb8;
	[tilespmem:$0x10200] =	vst v63  }
0x153: {  	_ = 	snop  }
0x154: {  	[tilespmem:s12], [sflag:$0x1] =	stream.indirect_vreg.gather [hbm4b:s1+s3], $0x80, v3, vm0, $0xb8;
	[tilespmem:$0x10200] =	vst v63  }
0x155: {  	v3 =	vld [tilespmem:$0x1B0];
	_ =	sdelay $0x4  }
0x156: {  	v59 =	vshll.u32 v3, $0x1  }
0x157: {  	v3 =	vand.u32 $0x7, v3;
	v4 =	vand.u32 $0xFFFFFFF0, v59  }
0x158: {  	v3 =	vor.u32 v3, v4  }
0x159: {  	v4 =	vperm.xlane v3, v0;
	_ =	sdelay $0x1  }
0x15a: {  	v3 =	vperm.xlane v3, v2;
	v4 =	vadd.s32 v1, v4;
	_ =	sdelay $0x1  }
0x15b: {  	v3 =	vadd.s32 v1, v3;
	_ =	sdelay $0x1  }
0x15c: {  	s15 =	simm.s32 $0xB200  }
0x15d: {  	[tilespmem:s15], [sflag:$0x1] =	stream.indirect_vreg.gather [hbm4b:s1+s3], $0x80, v4, vm0, $0xb8;
	[tilespmem:$0x10200] =	vst v63  }
0x15e: {  	s16 =	simm.s32 $0xBA00  }
0x15f: {  	[tilespmem:s16], [sflag:$0x1] =	stream.indirect_vreg.gather [hbm4b:s1+s3], $0x80, v3, vm0, $0xb8;
	[tilespmem:$0x10200] =	vst v63  }
0x160: {  	v3 =	vld [tilespmem:$0x1C0];
	_ =	sdelay $0x4  }
0x161: {  	v60 =	vshll.u32 v3, $0x1  }
0x162: {  	v3 =	vand.u32 $0x7, v3;
	v4 =	vand.u32 $0xFFFFFFF0, v60  }
0x163: {  	v3 =	vor.u32 v3, v4  }
0x164: {  	v4 =	vperm.xlane v3, v0;
	_ =	sdelay $0x1  }
0x165: {  	v3 =	vperm.xlane v3, v2;
	v4 =	vadd.s32 v1, v4;
	_ =	sdelay $0x1  }
0x166: {  	v3 =	vadd.s32 v1, v3;
	_ =	sdelay $0x1  }
0x167: {  	s14 =	simm.s32 $0xC200  }
0x168: {  	[tilespmem:s14], [sflag:$0x1] =	stream.indirect_vreg.gather [hbm4b:s1+s3], $0x80, v4, vm0, $0xb8;
	[tilespmem:$0x10200] =	vst v63  }
0x169: {  	s15 =	simm.s32 $0xCA00  }
0x16a: {  	[tilespmem:s15], [sflag:$0x1] =	stream.indirect_vreg.gather [hbm4b:s1+s3], $0x80, v3, vm0, $0xb8;
	[tilespmem:$0x10200] =	vst v63  }
0x16b: {  	v3 =	vld [tilespmem:$0x1D0];
	_ =	sdelay $0x4  }
0x16c: {  	v61 =	vshll.u32 v3, $0x1  }
0x16d: {  	v3 =	vand.u32 $0x7, v3;
	v4 =	vand.u32 $0xFFFFFFF0, v61  }
0x16e: {  	v3 =	vor.u32 v3, v4  }
0x16f: {  	v4 =	vperm.xlane v3, v0;
	_ =	sdelay $0x1  }
0x170: {  	v3 =	vperm.xlane v3, v2;
	v4 =	vadd.s32 v1, v4;
	_ =	sdelay $0x1  }
0x171: {  	v3 =	vadd.s32 v1, v3;
	_ =	sdelay $0x1  }
0x172: {  	s16 =	simm.s32 $0xD200  }
0x173: {  	[tilespmem:s16], [sflag:$0x1] =	stream.indirect_vreg.gather [hbm4b:s1+s3], $0x80, v4, vm0, $0xb8;
	[tilespmem:$0x10200] =	vst v63  }
0x174: {  	s14 =	simm.s32 $0xDA00  }
0x175: {  	[tilespmem:s14], [sflag:$0x1] =	stream.indirect_vreg.gather [hbm4b:s1+s3], $0x80, v3, vm0, $0xb8;
	[tilespmem:$0x10200] =	vst v63  }
0x176: {  	v3 =	vld [tilespmem:$0x1E0];
	_ =	sdelay $0x4  }
0x177: {  	v62 =	vshll.u32 v3, $0x1  }
0x178: {  	v3 =	vand.u32 $0x7, v3;
	v4 =	vand.u32 $0xFFFFFFF0, v62  }
0x179: {  	v3 =	vor.u32 v3, v4  }
0x17a: {  	v4 =	vperm.xlane v3, v0;
	_ =	sdelay $0x1  }
0x17b: {  	v3 =	vperm.xlane v3, v2;
	v4 =	vadd.s32 v1, v4;
	_ =	sdelay $0x1  }
0x17c: {  	v3 =	vadd.s32 v1, v3;
	_ =	sdelay $0x1  }
0x17d: {  	s15 =	simm.s32 $0xE200  }
0x17e: {  	[tilespmem:s15], [sflag:$0x1] =	stream.indirect_vreg.gather [hbm4b:s1+s3], $0x80, v4, vm0, $0xb8;
	[tilespmem:$0x10200] =	vst v63  }
0x17f: {  	s16 =	simm.s32 $0xEA00  }
0x180: {  	[tilespmem:s16], [sflag:$0x1] =	stream.indirect_vreg.gather [hbm4b:s1+s3], $0x80, v3, vm0, $0xb8;
	[tilespmem:$0x10200] =	vst v63  }
0x181: {  	v3 =	vld [tilespmem:$0x1F0];
	_ =	sdelay $0x4  }
0x182: {  	v63 =	vshll.u32 v3, $0x1  }
0x183: {  	v3 =	vand.u32 $0x7, v3;
	v4 =	vand.u32 $0xFFFFFFF0, v63  }
0x184: {  	v3 =	vor.u32 v3, v4  }
0x185: {  	v4 =	vperm.xlane v3, v0;
	_ =	sdelay $0x1  }
0x186: {  	v3 =	vperm.xlane v3, v2;
	v4 =	vadd.s32 v1, v4;
	_ =	sdelay $0x1  }
0x187: {  	v3 =	vadd.s32 v1, v3;
	_ =	sdelay $0x1  }
0x188: {  	s14 =	simm.s32 $0xF200  }
0x189: {  	[tilespmem:s14], [sflag:$0x1] =	stream.indirect_vreg.gather [hbm4b:s1+s3], $0x80, v4, vm0, $0xb8;
	[tilespmem:$0x10200] =	vst v63  }
0x18a: {  	s15 =	simm.s32 $0xFA00  }
0x18b: {  	[tilespmem:s15], [sflag:$0x1] =	stream.indirect_vreg.gather [hbm4b:s1+s3], $0x80, v3, vm0, $0xb8;
	[tilespmem:$0x10200] =	vst v63  }
0x18c: {  	_ =	swait.ge [sflag:s22], $0x8000  }
0x18d: {  	[sflag:s22] =	ssyncset.done $0x0  }
0x18e: {  	s16 =	rddreg [dreg:$0xb];
	[sflag:s22] =	ssyncadd.s32 $0xFFFF8000  }
0x18f: {  	[hbm4b:s16+s3] =	stream.linear.scatter [tilespmem:s0], [sflag:$0x2], $0x8000, $0x38;
	[tilespmem:$0x10200] =	vst v63  }
0x190: {  	p0 =	sne.s32 s4, $0x1;
	_ =	swait.ge [sflag:s13], $0x8000  }
.Ltmp0:
0x191: {  	[sflag:s13] =	ssyncset.done $0x0;
	(pc) =	sbr.rel @p0 .LBB2_1-.Ltmp0, $4  }
0x192: {  	[sflag:s13] =	ssyncadd.s32 $0xFFFF8000  }
0x193: {  	_ =	swait.ge [sflag:s13], $0x8000  }
0x194: {  	[sflag:s13] =	ssyncset.done $0x0  }
0x195: {  	s4 =	sadd.s32 $0xFFFFFFFF, s4;
	[sflag:s13] =	ssyncadd.s32 $0xFFFF8000  }
0x196: {  	_ =	sfence.sel $0x180000  }
0x197: {  	[bflag:$0x0] =	sbarrier.arrive $0xFFFF  }
0x198: {  	_ =	strace $0x90000047  }
0x199: {  	s0 =	stileid.u32;
	[bflag:$0x2] =	sbarrier.arrive $0xFFFF  }
0x19a: {  	p0 =	sne.s32 s0, $0x0;
	s0 =	rddreg [dreg:$0x3]  }
0x19b: {  	s0 =	sadd.s32 @!p0 $0x100000, s0  }
0x19c: {  	[sflag:s0] =	ssyncadd.tile.s32 @!p0 $0x1;
	_ =	shalt  }
.Lfunc_end2:
_tile_overlayer_lowered:
.L_overlay_start_2:
0x19d: {  	(tag) =	ssettag $0x2  }
0x19e: {  	s0 =	rddreg [dreg:$0x0];
	s2 =	stileid.u32  }
0x19f: {  	s1 =	rddreg [dreg:$0x1];
	p0 =	sne.s32 s2, $0x0  }
0x1a0: {  	s3 =	rddreg [dreg:$0x2];
	[bflag:$0x3] =	sbarrier.arrive $0xFFFF;
	s2 =	simm.s32 @!p0 $0x1C03  }
0x1a1: {  	[timem:s3], [sflag:s2] =	dma.local @!p0 [hbm:s0], s1  }
0x1a2: {  	s0 =	simm.s32 @!p0 $0x3  }
0x1a3: {  	_ =	swait.ge @!p0 [sflag:s0], s1  }
0x1a4: {  	s1 =	ssub.s32 @!p0 $0x0, s1;
	[sflag:s0] =	ssyncset.done @!p0 $0x0  }
0x1a5: {  	[sflag:s0] =	ssyncadd.s32 @!p0 s1  }
0x1a6: {  	[bflag:$0x3] =	sbarrier.arrive $0xFFFF  }
0x1a7: {  	_ =	shalt  }

</sc_bundles>
